<compile_context>
chip_gen: v7x
topology: tpu7x:2x2x1
jax: 0.10.2.dev20260603
libtpu: 0.0.44.dev20260713+nightly
codegen_flags: <defaults>
</compile_context>

<pallas_src>
import jax
import jax.numpy as jnp
from jax import lax
from jax.experimental import pallas as pl
from jax.experimental.pallas import tpu as pltpu
from jax.experimental.pallas import tpu_sc as plsc

NC, NS = 2, 16
CHUNK = 128
N_PAD = 10240
E_PAD = 163840
ROWS_PER_TILE = N_PAD // NS
K1_CHUNKS = E_PAD // (NC * NS * CHUNK)
K3_CHUNKS = E_PAD // (NS * CHUNK)
HC = 128
BLK = 256

_MESH = plsc.VectorSubcoreMesh(
    core_axis_name="c", subcore_axis_name="s", num_cores=NC, num_subcores=NS)


def _deg_body(dst_hbm, zeros_hbm, ones_hbm, degp_hbm, deg_sh, idx_v, ones_v):
    c = lax.axis_index("c")
    s = lax.axis_index("s")
    r0 = s * ROWS_PER_TILE
    pltpu.sync_copy(zeros_hbm.at[pl.ds(r0, ROWS_PER_TILE)],
                    deg_sh.at[pl.ds(r0, ROWS_PER_TILE)])
    pltpu.sync_copy(ones_hbm, ones_v)
    base = (c * NS + s) * K1_CHUNKS
    pltpu.sync_copy(dst_hbm.at[pl.ds(base, K1_CHUNKS)], idx_v)
    plsc.subcore_barrier()

    def chunk(j, carry):
        pltpu.sync_copy(ones_v, deg_sh.at[idx_v.at[j]], add=True)
        return carry

    lax.fori_loop(0, K1_CHUNKS, chunk, 0)
    plsc.subcore_barrier()
    pltpu.sync_copy(deg_sh.at[pl.ds(r0, ROWS_PER_TILE)],
                    degp_hbm.at[c, pl.ds(r0, ROWS_PER_TILE)])


_deg_call = pl.kernel(
    _deg_body,
    out_type=jax.ShapeDtypeStruct((NC, N_PAD), jnp.float32),
    mesh=_MESH,
    scratch_types=[
        pltpu.VMEM_SHARED((N_PAD,), jnp.float32),
        pltpu.VMEM((K1_CHUNKS, CHUNK), jnp.int32),
        pltpu.VMEM((CHUNK,), jnp.float32),
    ],
)


IDX_GRP = 16


def _agg_body(src_hbm, dst_hbm, h_hbm, accs_hbm,
              acc_sh, sidx_v, didx_v, rows0, rows1,
              sem_g0, sem_g1, sem_s0, sem_s1):
    c = lax.axis_index("c")
    s = lax.axis_index("s")
    r0 = s * ROWS_PER_TILE
    pltpu.sync_copy(h_hbm.at[pl.ds(c * N_PAD + r0, ROWS_PER_TILE)],
                    acc_sh.at[pl.ds(r0, ROWS_PER_TILE)])
    base = s * K3_CHUNKS
    plsc.subcore_barrier()

    def group(g, carry):
        pltpu.sync_copy(src_hbm.at[c, pl.ds(base + g * IDX_GRP, IDX_GRP)],
                        sidx_v)
        pltpu.sync_copy(dst_hbm.at[pl.ds(base + g * IDX_GRP, IDX_GRP)],
                        didx_v)
        HF = CHUNK // 2

        def gat(j, buf, sa, sb):
            pltpu.async_copy(h_hbm.at[sidx_v.at[j, pl.ds(0, HF)]],
                             buf.at[pl.ds(0, HF)], sa)
            pltpu.async_copy(h_hbm.at[sidx_v.at[j, pl.ds(HF, HF)]],
                             buf.at[pl.ds(HF, HF)], sb)

        def gwait(j, buf, sa, sb):
            pltpu.make_async_copy(h_hbm.at[sidx_v.at[j, pl.ds(0, HF)]],
                                  buf.at[pl.ds(0, HF)], sa).wait()
            pltpu.make_async_copy(h_hbm.at[sidx_v.at[j, pl.ds(HF, HF)]],
                                  buf.at[pl.ds(HF, HF)], sb).wait()

        gat(0, rows0, sem_g0, sem_s0)
        gat(1, rows1, sem_g1, sem_s1)

        def pair(jj, inner):
            j0 = 2 * jj
            j1 = j0 + 1
            gwait(j0, rows0, sem_g0, sem_s0)
            pltpu.sync_copy(rows0, acc_sh.at[didx_v.at[j0]], add=True)

            @pl.when(jj < IDX_GRP // 2 - 1)
            def _():
                gat(j0 + 2, rows0, sem_g0, sem_s0)

            gwait(j1, rows1, sem_g1, sem_s1)
            pltpu.sync_copy(rows1, acc_sh.at[didx_v.at[j1]], add=True)

            @pl.when(jj < IDX_GRP // 2 - 1)
            def _():
                gat(j1 + 2, rows1, sem_g1, sem_s1)

            return inner

        lax.fori_loop(0, IDX_GRP // 2, pair, 0)
        return carry

    lax.fori_loop(0, K3_CHUNKS // IDX_GRP, group, 0)
    plsc.subcore_barrier()
    pltpu.sync_copy(acc_sh.at[pl.ds(r0, ROWS_PER_TILE)],
                    accs_hbm.at[c, pl.ds(r0, ROWS_PER_TILE)])


_agg_call = pl.kernel(
    _agg_body,
    out_type=jax.ShapeDtypeStruct((NC, N_PAD, HC), jnp.float32),
    mesh=_MESH,
    scratch_types=[
        pltpu.VMEM_SHARED((N_PAD, HC), jnp.float32),
        pltpu.VMEM((IDX_GRP, CHUNK), jnp.int32),
        pltpu.VMEM((IDX_GRP, CHUNK), jnp.int32),
        pltpu.VMEM((CHUNK, HC), jnp.float32),
        pltpu.VMEM((CHUNK, HC), jnp.float32),
        pltpu.SemaphoreType.DMA,
        pltpu.SemaphoreType.DMA,
        pltpu.SemaphoreType.DMA,
        pltpu.SemaphoreType.DMA,
    ],
)


def _mm_body(x_ref, w_ref, degp_ref, hs_ref, dinv_ref):
    d = degp_ref[0] + degp_ref[1] + 1.0
    dv = lax.rsqrt(d)
    h = jnp.dot(x_ref[...], w_ref[...], preferred_element_type=jnp.float32)
    hs_ref[0] = h[:, :HC] * dv
    hs_ref[1] = h[:, HC:] * dv
    dinv_ref[...] = dv


def _out_body(acc_ref, dinv_ref, b_ref, out_ref):
    dv = dinv_ref[...]
    o = jnp.concatenate([acc_ref[0], acc_ref[1]], axis=1) * dv + b_ref[...]
    out_ref[...] = jnp.maximum(o, 0.0)


def kernel(x, edge_index, W, b):
    N, IC = x.shape
    OC = W.shape[1]
    E = edge_index.shape[1]
    src = edge_index[0].astype(jnp.int32)
    dst = edge_index[1].astype(jnp.int32)

    pad = E_PAD - E
    src_p = jnp.concatenate([src, jnp.zeros((pad,), jnp.int32)])
    dst_p = jnp.concatenate([dst, jnp.full((pad,), N, jnp.int32)])
    src2 = jnp.stack([src_p, src_p + N_PAD]).reshape(NC, E_PAD // CHUNK, CHUNK)
    dst2 = dst_p.reshape(E_PAD // CHUNK, CHUNK)
    zeros_h = jnp.zeros((N_PAD,), jnp.float32)
    ones_h = jnp.ones((CHUNK,), jnp.float32)

    degp = _deg_call(dst2, zeros_h, ones_h)

    nblk = N_PAD // BLK
    hs, dinv = pl.pallas_call(
        _mm_body,
        grid=(nblk,),
        in_specs=[
            pl.BlockSpec((BLK, IC), lambda i: (i, 0)),
            pl.BlockSpec((IC, OC), lambda i: (0, 0)),
            pl.BlockSpec((NC, BLK, 1), lambda i: (0, i, 0)),
        ],
        out_specs=[
            pl.BlockSpec((NC, BLK, HC), lambda i: (0, i, 0)),
            pl.BlockSpec((BLK, 1), lambda i: (i, 0)),
        ],
        out_shape=[
            jax.ShapeDtypeStruct((NC, N_PAD, HC), jnp.float32),
            jax.ShapeDtypeStruct((N_PAD, 1), jnp.float32),
        ],
    )(x, W, degp.reshape(NC, N_PAD, 1))

    h_flat = hs.reshape(NC * N_PAD, HC)
    accs = _agg_call(src2, dst2, h_flat)

    out = pl.pallas_call(
        _out_body,
        grid=(nblk,),
        in_specs=[
            pl.BlockSpec((NC, BLK, HC), lambda i: (0, i, 0)),
            pl.BlockSpec((BLK, 1), lambda i: (i, 0)),
            pl.BlockSpec((1, OC), lambda i: (0, 0)),
        ],
        out_specs=pl.BlockSpec((BLK, OC), lambda i: (i, 0)),
        out_shape=jax.ShapeDtypeStruct((N, OC), jnp.float32),
    )(accs, dinv, b.reshape(1, OC))

    return out

# --- scband reference (transcript-rebuilt; emitter-appended) ---
"""Pipeline reference for scband-gcnlayer-20023137534037 (READ-ONLY COPY).

The authoritative reference and input builder live on the scoring server;
editing this copy changes nothing except your own understanding.
"""

import jax, jax.numpy as jnp
import numpy as np

N_NODES = 10000
IN_C = 256
OUT_C = 256
N_EDGES = 160000

def setup_inputs(seed: int = 0) -> dict:
    key = jax.random.key(seed)
    k1, k2, k3, k4 = jax.random.split(key, 4)
    x = jax.random.normal(k1, (N_NODES, IN_C), dtype=jnp.float32)
    edge_index = jax.random.randint(k2, (2, N_EDGES), 0, N_NODES, dtype=jnp.int64)
    # GCNConv learned parameters (glorot weight, zero bias like PyG defaults)
    limit = float(np.sqrt(6.0 / (IN_C + OUT_C)))
    W = jax.random.uniform(k3, (IN_C, OUT_C), dtype=jnp.float32, minval=-limit, maxval=limit)
    b = jnp.zeros((OUT_C,), dtype=jnp.float32)
    return {"x": x, "edge_index": edge_index, "W": W, "b": b}

def reference(x, edge_index, W, b):
    N = x.shape[0]
    # PyG GCNConv: add self-loops, symmetric normalization, linear, scatter-add, bias
    self_idx = jnp.arange(N, dtype=edge_index.dtype)
    src = jnp.concatenate([edge_index[0], self_idx])
    dst = jnp.concatenate([edge_index[1], self_idx])
    deg = jnp.zeros((N,), dtype=x.dtype).at[dst].add(1.0)
    deg_inv_sqrt = jnp.where(deg > 0, jax.lax.rsqrt(jnp.maximum(deg, 1e-12)), 0.0)
    norm = deg_inv_sqrt[src] * deg_inv_sqrt[dst]
    h = x @ W
    msg = h[src] * norm[:, None]
    out = jnp.zeros((N, h.shape[1]), dtype=x.dtype).at[dst].add(msg)
    out = out + b
    return jax.nn.relu(out)

if __name__ == "__main__":
    import jax
    _d = setup_inputs()
    print(jax.jit(kernel)(*tuple(_d.values())))

</pallas_src>

<mosaic_0001>
#map = affine_map<(d0, d1) -> (0, 0, 0)>
#map1 = affine_map<(d0, d1) -> (0, 0)>
module attributes {stable_mosaic.version = 14 : i64} {
  func.func @_agg_body(%arg0: i32, %arg1: i32, %arg2: memref<2x1280x128xi32, #tpu.memory_space<hbm>>, %arg3: memref<1280x128xi32, #tpu.memory_space<hbm>>, %arg4: memref<20480x128xf32, #tpu.memory_space<hbm>>, %arg5: memref<2x10240x128xf32, #tpu.memory_space<hbm>>, %arg6: memref<10240x128xf32, #tpu.memory_space<vmem_shared>>, %arg7: memref<16x128xi32, #tpu.memory_space<vmem>>, %arg8: memref<16x128xi32, #tpu.memory_space<vmem>>, %arg9: memref<128x128xf32, #tpu.memory_space<vmem>>, %arg10: memref<128x128xf32, #tpu.memory_space<vmem>>, %arg11: memref<!tpu.dma_semaphore, #tpu.memory_space<semaphore_mem>>, %arg12: memref<!tpu.dma_semaphore, #tpu.memory_space<semaphore_mem>>, %arg13: memref<!tpu.dma_semaphore, #tpu.memory_space<semaphore_mem>>, %arg14: memref<!tpu.dma_semaphore, #tpu.memory_space<semaphore_mem>>) attributes {dimension_semantics = [#tpu.dimension_semantics<core_parallel>, #tpu.dimension_semantics<subcore_parallel>], iteration_bounds = array<i64: 2, 16>, scalar_prefetch = 0 : i64, scratch_operands = 9 : i64, tpu.core_type = #tpu.core_type<sc_vector_subcore>, window_params = [{transform_indices = #map}, {transform_indices = #map1}, {transform_indices = #map1}, {transform_indices = #map}]} {
    %mul3A = arith.constant 640 : i32
    %mul3A_0 = arith.muli %arg1, %mul3A : i32
    %mul3A_1 = arith.constant 10240 : i32
    %mul3A_2 = arith.muli %arg0, %mul3A_1 : i32
    %add3A = arith.addi %mul3A_2, %mul3A_0 : i32
    "tpu.region"() ({
      %run_scoped3A = tpu.sem_alloc : memref<!tpu.dma_semaphore, #tpu.memory_space<semaphore_mem>>
      %dma_start3A = arith.constant 0 : i32
      %dma_start3A_11 = tpu.memref_slice %arg6[%mul3A_0, %dma_start3A] : memref<10240x128xf32, #tpu.memory_space<vmem_shared>> -> memref<640x128xf32, #tpu.memory_space<vmem_shared>>
      %dma_start3A_12 = arith.constant 0 : i32
      %dma_start3A_13 = tpu.memref_slice %arg4[%add3A, %dma_start3A_12] : memref<20480x128xf32, #tpu.memory_space<hbm>> -> memref<640x128xf32, #tpu.memory_space<hbm>>
      tpu.enqueue_dma source(%dma_start3A_13 : memref<640x128xf32, #tpu.memory_space<hbm>>) target(%dma_start3A_11 : memref<640x128xf32, #tpu.memory_space<vmem_shared>>) target_semaphore(%run_scoped3A : memref<!tpu.dma_semaphore, #tpu.memory_space<semaphore_mem>>)
      %dma_wait3A = arith.constant 0 : i32
      %dma_wait3A_14 = tpu.memref_slice %arg6[%mul3A_0, %dma_wait3A] : memref<10240x128xf32, #tpu.memory_space<vmem_shared>> -> memref<640x128xf32, #tpu.memory_space<vmem_shared>>
      %dma_wait3A_15 = arith.constant 0 : i32
      %dma_wait3A_16 = tpu.memref_slice %arg4[%add3A, %dma_wait3A_15] : memref<20480x128xf32, #tpu.memory_space<hbm>> -> memref<640x128xf32, #tpu.memory_space<hbm>>
      tpu.wait_dma2 semaphore(%run_scoped3A : memref<!tpu.dma_semaphore, #tpu.memory_space<semaphore_mem>>) src(%dma_wait3A_16 : memref<640x128xf32, #tpu.memory_space<hbm>>) dst(%dma_wait3A_14 : memref<640x128xf32, #tpu.memory_space<vmem_shared>>)
      tpu.yield
    }) : () -> ()
    %mul3A_3 = arith.constant 80 : i32
    %mul3A_4 = arith.muli %arg1, %mul3A_3 : i32
    %barrier3A = arith.constant 0 : index
    tpu.barrier barrier_id(%barrier3A)
    %scan3A = arith.constant 0 : i32
    %scan3A_5 = arith.constant 0 : i32
    %scan3A_6 = arith.constant 5 : i32
    %scan3A_7 = arith.addi %scan3A_5, %scan3A_6 : i32
    %scan3A_8 = arith.constant 1 : i32
    scf.for %scan3A_11 = %scan3A_5 to %scan3A_7 step %scan3A_8  : i32 {
      %mul3A_12 = arith.constant 16 : i32
      %mul3A_13 = arith.muli %scan3A_11, %mul3A_12 : i32
      %add3A_14 = arith.addi %mul3A_4, %mul3A_13 : i32
      "tpu.region"() ({
        %run_scoped3A = tpu.sem_alloc : memref<!tpu.dma_semaphore, #tpu.memory_space<semaphore_mem>>
        %dma_start3A_63 = arith.constant 0 : i32
        %dma_start3A_64 = tpu.memref_slice %arg2[%arg0, %add3A_14, %dma_start3A_63] : memref<2x1280x128xi32, #tpu.memory_space<hbm>> -> memref<1x16x128xi32, #tpu.memory_space<hbm>>
        %dma_start3A_65 = tpu.memref_squeeze %dma_start3A_64 : memref<1x16x128xi32, #tpu.memory_space<hbm>> -> memref<16x128xi32, #tpu.memory_space<hbm>>
        %dma_start3A_66 = arith.constant 0 : i32
        %dma_start3A_67 = tpu.memref_slice %arg2[%arg0, %add3A_14, %dma_start3A_66] : memref<2x1280x128xi32, #tpu.memory_space<hbm>> -> memref<1x16x128xi32, #tpu.memory_space<hbm>>
        %dma_start3A_68 = tpu.memref_squeeze %dma_start3A_67 : memref<1x16x128xi32, #tpu.memory_space<hbm>> -> memref<16x128xi32, #tpu.memory_space<hbm>>
        tpu.enqueue_dma source(%dma_start3A_68 : memref<16x128xi32, #tpu.memory_space<hbm>>) target(%arg7 : memref<16x128xi32, #tpu.memory_space<vmem>>) target_semaphore(%run_scoped3A : memref<!tpu.dma_semaphore, #tpu.memory_space<semaphore_mem>>)
        %dma_wait3A = arith.constant 0 : i32
        %dma_wait3A_69 = tpu.memref_slice %arg2[%arg0, %add3A_14, %dma_wait3A] : memref<2x1280x128xi32, #tpu.memory_space<hbm>> -> memref<1x16x128xi32, #tpu.memory_space<hbm>>
        %dma_wait3A_70 = tpu.memref_squeeze %dma_wait3A_69 : memref<1x16x128xi32, #tpu.memory_space<hbm>> -> memref<16x128xi32, #tpu.memory_space<hbm>>
        %dma_wait3A_71 = arith.constant 0 : i32
        %dma_wait3A_72 = tpu.memref_slice %arg2[%arg0, %add3A_14, %dma_wait3A_71] : memref<2x1280x128xi32, #tpu.memory_space<hbm>> -> memref<1x16x128xi32, #tpu.memory_space<hbm>>
        %dma_wait3A_73 = tpu.memref_squeeze %dma_wait3A_72 : memref<1x16x128xi32, #tpu.memory_space<hbm>> -> memref<16x128xi32, #tpu.memory_space<hbm>>
        tpu.wait_dma2 semaphore(%run_scoped3A : memref<!tpu.dma_semaphore, #tpu.memory_space<semaphore_mem>>) src(%dma_wait3A_73 : memref<16x128xi32, #tpu.memory_space<hbm>>) dst(%arg7 : memref<16x128xi32, #tpu.memory_space<vmem>>)
        tpu.yield
      }) : () -> ()
      %mul3A_15 = arith.constant 16 : i32
      %mul3A_16 = arith.muli %scan3A_11, %mul3A_15 : i32
      %add3A_17 = arith.addi %mul3A_4, %mul3A_16 : i32
      "tpu.region"() ({
        %run_scoped3A = tpu.sem_alloc : memref<!tpu.dma_semaphore, #tpu.memory_space<semaphore_mem>>
        %dma_start3A_63 = arith.constant 0 : i32
        %dma_start3A_64 = tpu.memref_slice %arg3[%add3A_17, %dma_start3A_63] : memref<1280x128xi32, #tpu.memory_space<hbm>> -> memref<16x128xi32, #tpu.memory_space<hbm>>
        %dma_start3A_65 = arith.constant 0 : i32
        %dma_start3A_66 = tpu.memref_slice %arg3[%add3A_17, %dma_start3A_65] : memref<1280x128xi32, #tpu.memory_space<hbm>> -> memref<16x128xi32, #tpu.memory_space<hbm>>
        tpu.enqueue_dma source(%dma_start3A_66 : memref<16x128xi32, #tpu.memory_space<hbm>>) target(%arg8 : memref<16x128xi32, #tpu.memory_space<vmem>>) target_semaphore(%run_scoped3A : memref<!tpu.dma_semaphore, #tpu.memory_space<semaphore_mem>>)
        %dma_wait3A = arith.constant 0 : i32
        %dma_wait3A_67 = tpu.memref_slice %arg3[%add3A_17, %dma_wait3A] : memref<1280x128xi32, #tpu.memory_space<hbm>> -> memref<16x128xi32, #tpu.memory_space<hbm>>
        %dma_wait3A_68 = arith.constant 0 : i32
        %dma_wait3A_69 = tpu.memref_slice %arg3[%add3A_17, %dma_wait3A_68] : memref<1280x128xi32, #tpu.memory_space<hbm>> -> memref<16x128xi32, #tpu.memory_space<hbm>>
        tpu.wait_dma2 semaphore(%run_scoped3A : memref<!tpu.dma_semaphore, #tpu.memory_space<semaphore_mem>>) src(%dma_wait3A_69 : memref<16x128xi32, #tpu.memory_space<hbm>>) dst(%arg8 : memref<16x128xi32, #tpu.memory_space<vmem>>)
        tpu.yield
      }) : () -> ()
      %dma_start3A = arith.constant 0 : i32
      %dma_start3A_18 = arith.constant 0 : i32
      %dma_start3A_19 = arith.constant 0 : i32
      %dma_start3A_20 = tpu.memref_slice %arg9[%dma_start3A_18, %dma_start3A_19] : memref<128x128xf32, #tpu.memory_space<vmem>> -> memref<64x128xf32, #tpu.memory_space<vmem>>
      %dma_start3A_21 = arith.constant 0 : i32
      %dma_start3A_22 = tpu.memref_slice %arg7[%dma_start3A, %dma_start3A_21] : memref<16x128xi32, #tpu.memory_space<vmem>> -> memref<1x64xi32, #tpu.memory_space<vmem>>
      %dma_start3A_23 = tpu.memref_squeeze %dma_start3A_22 : memref<1x64xi32, #tpu.memory_space<vmem>> -> memref<64xi32, #tpu.memory_space<vmem>>
      %dma_start3A_24 = arith.constant 0 : i32
      %dma_start3A_25 = arith.constant 0 : i32
      %dma_start3A_26 = tpu.memref_slice %arg4[%dma_start3A_24, %dma_start3A_25] : memref<20480x128xf32, #tpu.memory_space<hbm>> -> memref<20480x128xf32, #tpu.memory_space<hbm>>
      tpu.enqueue_indirect_dma source(%dma_start3A_26 : memref<20480x128xf32, #tpu.memory_space<hbm>>) target(%dma_start3A_20 : memref<64x128xf32, #tpu.memory_space<vmem>>) offsets(%dma_start3A_23 : memref<64xi32, #tpu.memory_space<vmem>>) semaphore(%arg11 : memref<!tpu.dma_semaphore, #tpu.memory_space<semaphore_mem>>)
      %dma_start3A_27 = arith.constant 0 : i32
      %dma_start3A_28 = arith.constant 64 : i32
      %dma_start3A_29 = arith.constant 0 : i32
      %dma_start3A_30 = tpu.memref_slice %arg9[%dma_start3A_28, %dma_start3A_29] : memref<128x128xf32, #tpu.memory_space<vmem>> -> memref<64x128xf32, #tpu.memory_space<vmem>>
      %dma_start3A_31 = arith.constant 64 : i32
      %dma_start3A_32 = tpu.memref_slice %arg7[%dma_start3A_27, %dma_start3A_31] : memref<16x128xi32, #tpu.memory_space<vmem>> -> memref<1x64xi32, #tpu.memory_space<vmem>>
      %dma_start3A_33 = tpu.memref_squeeze %dma_start3A_32 : memref<1x64xi32, #tpu.memory_space<vmem>> -> memref<64xi32, #tpu.memory_space<vmem>>
      %dma_start3A_34 = arith.constant 0 : i32
      %dma_start3A_35 = arith.constant 0 : i32
      %dma_start3A_36 = tpu.memref_slice %arg4[%dma_start3A_34, %dma_start3A_35] : memref<20480x128xf32, #tpu.memory_space<hbm>> -> memref<20480x128xf32, #tpu.memory_space<hbm>>
      tpu.enqueue_indirect_dma source(%dma_start3A_36 : memref<20480x128xf32, #tpu.memory_space<hbm>>) target(%dma_start3A_30 : memref<64x128xf32, #tpu.memory_space<vmem>>) offsets(%dma_start3A_33 : memref<64xi32, #tpu.memory_space<vmem>>) semaphore(%arg13 : memref<!tpu.dma_semaphore, #tpu.memory_space<semaphore_mem>>)
      %dma_start3A_37 = arith.constant 1 : i32
      %dma_start3A_38 = arith.constant 0 : i32
      %dma_start3A_39 = arith.constant 0 : i32
      %dma_start3A_40 = tpu.memref_slice %arg10[%dma_start3A_38, %dma_start3A_39] : memref<128x128xf32, #tpu.memory_space<vmem>> -> memref<64x128xf32, #tpu.memory_space<vmem>>
      %dma_start3A_41 = arith.constant 0 : i32
      %dma_start3A_42 = tpu.memref_slice %arg7[%dma_start3A_37, %dma_start3A_41] : memref<16x128xi32, #tpu.memory_space<vmem>> -> memref<1x64xi32, #tpu.memory_space<vmem>>
      %dma_start3A_43 = tpu.memref_squeeze %dma_start3A_42 : memref<1x64xi32, #tpu.memory_space<vmem>> -> memref<64xi32, #tpu.memory_space<vmem>>
      %dma_start3A_44 = arith.constant 0 : i32
      %dma_start3A_45 = arith.constant 0 : i32
      %dma_start3A_46 = tpu.memref_slice %arg4[%dma_start3A_44, %dma_start3A_45] : memref<20480x128xf32, #tpu.memory_space<hbm>> -> memref<20480x128xf32, #tpu.memory_space<hbm>>
      tpu.enqueue_indirect_dma source(%dma_start3A_46 : memref<20480x128xf32, #tpu.memory_space<hbm>>) target(%dma_start3A_40 : memref<64x128xf32, #tpu.memory_space<vmem>>) offsets(%dma_start3A_43 : memref<64xi32, #tpu.memory_space<vmem>>) semaphore(%arg12 : memref<!tpu.dma_semaphore, #tpu.memory_space<semaphore_mem>>)
      %dma_start3A_47 = arith.constant 1 : i32
      %dma_start3A_48 = arith.constant 64 : i32
      %dma_start3A_49 = arith.constant 0 : i32
      %dma_start3A_50 = tpu.memref_slice %arg10[%dma_start3A_48, %dma_start3A_49] : memref<128x128xf32, #tpu.memory_space<vmem>> -> memref<64x128xf32, #tpu.memory_space<vmem>>
      %dma_start3A_51 = arith.constant 64 : i32
      %dma_start3A_52 = tpu.memref_slice %arg7[%dma_start3A_47, %dma_start3A_51] : memref<16x128xi32, #tpu.memory_space<vmem>> -> memref<1x64xi32, #tpu.memory_space<vmem>>
      %dma_start3A_53 = tpu.memref_squeeze %dma_start3A_52 : memref<1x64xi32, #tpu.memory_space<vmem>> -> memref<64xi32, #tpu.memory_space<vmem>>
      %dma_start3A_54 = arith.constant 0 : i32
      %dma_start3A_55 = arith.constant 0 : i32
      %dma_start3A_56 = tpu.memref_slice %arg4[%dma_start3A_54, %dma_start3A_55] : memref<20480x128xf32, #tpu.memory_space<hbm>> -> memref<20480x128xf32, #tpu.memory_space<hbm>>
      tpu.enqueue_indirect_dma source(%dma_start3A_56 : memref<20480x128xf32, #tpu.memory_space<hbm>>) target(%dma_start3A_50 : memref<64x128xf32, #tpu.memory_space<vmem>>) offsets(%dma_start3A_53 : memref<64xi32, #tpu.memory_space<vmem>>) semaphore(%arg14 : memref<!tpu.dma_semaphore, #tpu.memory_space<semaphore_mem>>)
      %scan3A_57 = arith.constant 0 : i32
      %scan3A_58 = arith.constant 0 : i32
      %scan3A_59 = arith.constant 8 : i32
      %scan3A_60 = arith.addi %scan3A_58, %scan3A_59 : i32
      %scan3A_61 = arith.constant 1 : i32
      scf.for %scan3A_63 = %scan3A_58 to %scan3A_60 step %scan3A_61  : i32 {
        %mul3A_64 = arith.constant 2 : i32
        %mul3A_65 = arith.muli %mul3A_64, %scan3A_63 : i32
        %add3A_66 = arith.constant 1 : i32
        %add3A_67 = arith.addi %mul3A_65, %add3A_66 : i32
        %dma_wait3A = arith.constant 0 : i32
        %dma_wait3A_68 = arith.constant 0 : i32
        %dma_wait3A_69 = tpu.memref_slice %arg9[%dma_wait3A, %dma_wait3A_68] : memref<128x128xf32, #tpu.memory_space<vmem>> -> memref<64x128xf32, #tpu.memory_space<vmem>>
        %dma_wait3A_70 = arith.constant 0 : i32
        %dma_wait3A_71 = tpu.memref_slice %arg7[%mul3A_65, %dma_wait3A_70] : memref<16x128xi32, #tpu.memory_space<vmem>> -> memref<1x64xi32, #tpu.memory_space<vmem>>
        %dma_wait3A_72 = tpu.memref_squeeze %dma_wait3A_71 : memref<1x64xi32, #tpu.memory_space<vmem>> -> memref<64xi32, #tpu.memory_space<vmem>>
        %dma_wait3A_73 = arith.constant 0 : i32
        %dma_wait3A_74 = arith.constant 0 : i32
        %dma_wait3A_75 = tpu.memref_slice %arg4[%dma_wait3A_73, %dma_wait3A_74] : memref<20480x128xf32, #tpu.memory_space<hbm>> -> memref<20480x128xf32, #tpu.memory_space<hbm>>
        tpu.wait_indirect_dma semaphore(%arg11 : memref<!tpu.dma_semaphore, #tpu.memory_space<semaphore_mem>>) src(%dma_wait3A_75 : memref<20480x128xf32, #tpu.memory_space<hbm>>) dst(%dma_wait3A_69 : memref<64x128xf32, #tpu.memory_space<vmem>>)
        %dma_wait3A_76 = arith.constant 64 : i32
        %dma_wait3A_77 = arith.constant 0 : i32
        %dma_wait3A_78 = tpu.memref_slice %arg9[%dma_wait3A_76, %dma_wait3A_77] : memref<128x128xf32, #tpu.memory_space<vmem>> -> memref<64x128xf32, #tpu.memory_space<vmem>>
        %dma_wait3A_79 = arith.constant 64 : i32
        %dma_wait3A_80 = tpu.memref_slice %arg7[%mul3A_65, %dma_wait3A_79] : memref<16x128xi32, #tpu.memory_space<vmem>> -> memref<1x64xi32, #tpu.memory_space<vmem>>
        %dma_wait3A_81 = tpu.memref_squeeze %dma_wait3A_80 : memref<1x64xi32, #tpu.memory_space<vmem>> -> memref<64xi32, #tpu.memory_space<vmem>>
        %dma_wait3A_82 = arith.constant 0 : i32
        %dma_wait3A_83 = arith.constant 0 : i32
        %dma_wait3A_84 = tpu.memref_slice %arg4[%dma_wait3A_82, %dma_wait3A_83] : memref<20480x128xf32, #tpu.memory_space<hbm>> -> memref<20480x128xf32, #tpu.memory_space<hbm>>
        tpu.wait_indirect_dma semaphore(%arg13 : memref<!tpu.dma_semaphore, #tpu.memory_space<semaphore_mem>>) src(%dma_wait3A_84 : memref<20480x128xf32, #tpu.memory_space<hbm>>) dst(%dma_wait3A_78 : memref<64x128xf32, #tpu.memory_space<vmem>>)
        "tpu.region"() ({
          %run_scoped3A = tpu.sem_alloc : memref<!tpu.dma_semaphore, #tpu.memory_space<semaphore_mem>>
          %dma_start3A_110 = arith.constant 0 : i32
          %dma_start3A_111 = tpu.memref_slice %arg8[%mul3A_65, %dma_start3A_110] : memref<16x128xi32, #tpu.memory_space<vmem>> -> memref<1x128xi32, #tpu.memory_space<vmem>>
          %dma_start3A_112 = tpu.memref_squeeze %dma_start3A_111 : memref<1x128xi32, #tpu.memory_space<vmem>> -> memref<128xi32, #tpu.memory_space<vmem>>
          %dma_start3A_113 = arith.constant 0 : i32
          %dma_start3A_114 = arith.constant 0 : i32
          %dma_start3A_115 = tpu.memref_slice %arg6[%dma_start3A_113, %dma_start3A_114] : memref<10240x128xf32, #tpu.memory_space<vmem_shared>> -> memref<10240x128xf32, #tpu.memory_space<vmem_shared>>
          tpu.enqueue_indirect_dma source(%arg9 : memref<128x128xf32, #tpu.memory_space<vmem>>) target(%dma_start3A_115 : memref<10240x128xf32, #tpu.memory_space<vmem_shared>>) offsets(%dma_start3A_112 : memref<128xi32, #tpu.memory_space<vmem>>) semaphore(%run_scoped3A : memref<!tpu.dma_semaphore, #tpu.memory_space<semaphore_mem>>) {add = true}
          %dma_wait3A_116 = arith.constant 0 : i32
          %dma_wait3A_117 = tpu.memref_slice %arg8[%mul3A_65, %dma_wait3A_116] : memref<16x128xi32, #tpu.memory_space<vmem>> -> memref<1x128xi32, #tpu.memory_space<vmem>>
          %dma_wait3A_118 = tpu.memref_squeeze %dma_wait3A_117 : memref<1x128xi32, #tpu.memory_space<vmem>> -> memref<128xi32, #tpu.memory_space<vmem>>
          %dma_wait3A_119 = arith.constant 0 : i32
          %dma_wait3A_120 = arith.constant 0 : i32
          %dma_wait3A_121 = tpu.memref_slice %arg6[%dma_wait3A_119, %dma_wait3A_120] : memref<10240x128xf32, #tpu.memory_space<vmem_shared>> -> memref<10240x128xf32, #tpu.memory_space<vmem_shared>>
          tpu.wait_indirect_dma semaphore(%run_scoped3A : memref<!tpu.dma_semaphore, #tpu.memory_space<semaphore_mem>>) src(%arg9 : memref<128x128xf32, #tpu.memory_space<vmem>>) dst(%dma_wait3A_121 : memref<10240x128xf32, #tpu.memory_space<vmem_shared>>)
          tpu.yield
        }) : () -> ()
        %lt3A = arith.constant 7 : i32
        %lt3A_85 = arith.cmpi slt, %scan3A_63, %lt3A : i32
        %convert_element_type3A = arith.extui %lt3A_85 : i1 to i32
        %cond3A = arith.constant 0 : i32
        %cond3A_86 = arith.cmpi ne, %convert_element_type3A, %cond3A : i32
        scf.if %cond3A_86 {
          %add3A_110 = arith.constant 2 : i32
          %add3A_111 = arith.addi %mul3A_65, %add3A_110 : i32
          %dma_start3A_112 = arith.constant 0 : i32
          %dma_start3A_113 = arith.constant 0 : i32
          %dma_start3A_114 = tpu.memref_slice %arg9[%dma_start3A_112, %dma_start3A_113] : memref<128x128xf32, #tpu.memory_space<vmem>> -> memref<64x128xf32, #tpu.memory_space<vmem>>
          %dma_start3A_115 = arith.constant 0 : i32
          %dma_start3A_116 = tpu.memref_slice %arg7[%add3A_111, %dma_start3A_115] : memref<16x128xi32, #tpu.memory_space<vmem>> -> memref<1x64xi32, #tpu.memory_space<vmem>>
          %dma_start3A_117 = tpu.memref_squeeze %dma_start3A_116 : memref<1x64xi32, #tpu.memory_space<vmem>> -> memref<64xi32, #tpu.memory_space<vmem>>
          %dma_start3A_118 = arith.constant 0 : i32
          %dma_start3A_119 = arith.constant 0 : i32
          %dma_start3A_120 = tpu.memref_slice %arg4[%dma_start3A_118, %dma_start3A_119] : memref<20480x128xf32, #tpu.memory_space<hbm>> -> memref<20480x128xf32, #tpu.memory_space<hbm>>
          tpu.enqueue_indirect_dma source(%dma_start3A_120 : memref<20480x128xf32, #tpu.memory_space<hbm>>) target(%dma_start3A_114 : memref<64x128xf32, #tpu.memory_space<vmem>>) offsets(%dma_start3A_117 : memref<64xi32, #tpu.memory_space<vmem>>) semaphore(%arg11 : memref<!tpu.dma_semaphore, #tpu.memory_space<semaphore_mem>>)
          %dma_start3A_121 = arith.constant 64 : i32
          %dma_start3A_122 = arith.constant 0 : i32
          %dma_start3A_123 = tpu.memref_slice %arg9[%dma_start3A_121, %dma_start3A_122] : memref<128x128xf32, #tpu.memory_space<vmem>> -> memref<64x128xf32, #tpu.memory_space<vmem>>
          %dma_start3A_124 = arith.constant 64 : i32
          %dma_start3A_125 = tpu.memref_slice %arg7[%add3A_111, %dma_start3A_124] : memref<16x128xi32, #tpu.memory_space<vmem>> -> memref<1x64xi32, #tpu.memory_space<vmem>>
          %dma_start3A_126 = tpu.memref_squeeze %dma_start3A_125 : memref<1x64xi32, #tpu.memory_space<vmem>> -> memref<64xi32, #tpu.memory_space<vmem>>
          %dma_start3A_127 = arith.constant 0 : i32
          %dma_start3A_128 = arith.constant 0 : i32
          %dma_start3A_129 = tpu.memref_slice %arg4[%dma_start3A_127, %dma_start3A_128] : memref<20480x128xf32, #tpu.memory_space<hbm>> -> memref<20480x128xf32, #tpu.memory_space<hbm>>
          tpu.enqueue_indirect_dma source(%dma_start3A_129 : memref<20480x128xf32, #tpu.memory_space<hbm>>) target(%dma_start3A_123 : memref<64x128xf32, #tpu.memory_space<vmem>>) offsets(%dma_start3A_126 : memref<64xi32, #tpu.memory_space<vmem>>) semaphore(%arg13 : memref<!tpu.dma_semaphore, #tpu.memory_space<semaphore_mem>>)
        } else {
        }
        %dma_wait3A_87 = arith.constant 0 : i32
        %dma_wait3A_88 = arith.constant 0 : i32
        %dma_wait3A_89 = tpu.memref_slice %arg10[%dma_wait3A_87, %dma_wait3A_88] : memref<128x128xf32, #tpu.memory_space<vmem>> -> memref<64x128xf32, #tpu.memory_space<vmem>>
        %dma_wait3A_90 = arith.constant 0 : i32
        %dma_wait3A_91 = tpu.memref_slice %arg7[%add3A_67, %dma_wait3A_90] : memref<16x128xi32, #tpu.memory_space<vmem>> -> memref<1x64xi32, #tpu.memory_space<vmem>>
        %dma_wait3A_92 = tpu.memref_squeeze %dma_wait3A_91 : memref<1x64xi32, #tpu.memory_space<vmem>> -> memref<64xi32, #tpu.memory_space<vmem>>
        %dma_wait3A_93 = arith.constant 0 : i32
        %dma_wait3A_94 = arith.constant 0 : i32
        %dma_wait3A_95 = tpu.memref_slice %arg4[%dma_wait3A_93, %dma_wait3A_94] : memref<20480x128xf32, #tpu.memory_space<hbm>> -> memref<20480x128xf32, #tpu.memory_space<hbm>>
        tpu.wait_indirect_dma semaphore(%arg12 : memref<!tpu.dma_semaphore, #tpu.memory_space<semaphore_mem>>) src(%dma_wait3A_95 : memref<20480x128xf32, #tpu.memory_space<hbm>>) dst(%dma_wait3A_89 : memref<64x128xf32, #tpu.memory_space<vmem>>)
        %dma_wait3A_96 = arith.constant 64 : i32
        %dma_wait3A_97 = arith.constant 0 : i32
        %dma_wait3A_98 = tpu.memref_slice %arg10[%dma_wait3A_96, %dma_wait3A_97] : memref<128x128xf32, #tpu.memory_space<vmem>> -> memref<64x128xf32, #tpu.memory_space<vmem>>
        %dma_wait3A_99 = arith.constant 64 : i32
        %dma_wait3A_100 = tpu.memref_slice %arg7[%add3A_67, %dma_wait3A_99] : memref<16x128xi32, #tpu.memory_space<vmem>> -> memref<1x64xi32, #tpu.memory_space<vmem>>
        %dma_wait3A_101 = tpu.memref_squeeze %dma_wait3A_100 : memref<1x64xi32, #tpu.memory_space<vmem>> -> memref<64xi32, #tpu.memory_space<vmem>>
        %dma_wait3A_102 = arith.constant 0 : i32
        %dma_wait3A_103 = arith.constant 0 : i32
        %dma_wait3A_104 = tpu.memref_slice %arg4[%dma_wait3A_102, %dma_wait3A_103] : memref<20480x128xf32, #tpu.memory_space<hbm>> -> memref<20480x128xf32, #tpu.memory_space<hbm>>
        tpu.wait_indirect_dma semaphore(%arg14 : memref<!tpu.dma_semaphore, #tpu.memory_space<semaphore_mem>>) src(%dma_wait3A_104 : memref<20480x128xf32, #tpu.memory_space<hbm>>) dst(%dma_wait3A_98 : memref<64x128xf32, #tpu.memory_space<vmem>>)
        "tpu.region"() ({
          %run_scoped3A = tpu.sem_alloc : memref<!tpu.dma_semaphore, #tpu.memory_space<semaphore_mem>>
          %dma_start3A_110 = arith.constant 0 : i32
          %dma_start3A_111 = tpu.memref_slice %arg8[%add3A_67, %dma_start3A_110] : memref<16x128xi32, #tpu.memory_space<vmem>> -> memref<1x128xi32, #tpu.memory_space<vmem>>
          %dma_start3A_112 = tpu.memref_squeeze %dma_start3A_111 : memref<1x128xi32, #tpu.memory_space<vmem>> -> memref<128xi32, #tpu.memory_space<vmem>>
          %dma_start3A_113 = arith.constant 0 : i32
          %dma_start3A_114 = arith.constant 0 : i32
          %dma_start3A_115 = tpu.memref_slice %arg6[%dma_start3A_113, %dma_start3A_114] : memref<10240x128xf32, #tpu.memory_space<vmem_shared>> -> memref<10240x128xf32, #tpu.memory_space<vmem_shared>>
          tpu.enqueue_indirect_dma source(%arg10 : memref<128x128xf32, #tpu.memory_space<vmem>>) target(%dma_start3A_115 : memref<10240x128xf32, #tpu.memory_space<vmem_shared>>) offsets(%dma_start3A_112 : memref<128xi32, #tpu.memory_space<vmem>>) semaphore(%run_scoped3A : memref<!tpu.dma_semaphore, #tpu.memory_space<semaphore_mem>>) {add = true}
          %dma_wait3A_116 = arith.constant 0 : i32
          %dma_wait3A_117 = tpu.memref_slice %arg8[%add3A_67, %dma_wait3A_116] : memref<16x128xi32, #tpu.memory_space<vmem>> -> memref<1x128xi32, #tpu.memory_space<vmem>>
          %dma_wait3A_118 = tpu.memref_squeeze %dma_wait3A_117 : memref<1x128xi32, #tpu.memory_space<vmem>> -> memref<128xi32, #tpu.memory_space<vmem>>
          %dma_wait3A_119 = arith.constant 0 : i32
          %dma_wait3A_120 = arith.constant 0 : i32
          %dma_wait3A_121 = tpu.memref_slice %arg6[%dma_wait3A_119, %dma_wait3A_120] : memref<10240x128xf32, #tpu.memory_space<vmem_shared>> -> memref<10240x128xf32, #tpu.memory_space<vmem_shared>>
          tpu.wait_indirect_dma semaphore(%run_scoped3A : memref<!tpu.dma_semaphore, #tpu.memory_space<semaphore_mem>>) src(%arg10 : memref<128x128xf32, #tpu.memory_space<vmem>>) dst(%dma_wait3A_121 : memref<10240x128xf32, #tpu.memory_space<vmem_shared>>)
          tpu.yield
        }) : () -> ()
        %lt3A_105 = arith.constant 7 : i32
        %lt3A_106 = arith.cmpi slt, %scan3A_63, %lt3A_105 : i32
        %convert_element_type3A_107 = arith.extui %lt3A_106 : i1 to i32
        %cond3A_108 = arith.constant 0 : i32
        %cond3A_109 = arith.cmpi ne, %convert_element_type3A_107, %cond3A_108 : i32
        scf.if %cond3A_109 {
          %add3A_110 = arith.constant 2 : i32
          %add3A_111 = arith.addi %add3A_67, %add3A_110 : i32
          %dma_start3A_112 = arith.constant 0 : i32
          %dma_start3A_113 = arith.constant 0 : i32
          %dma_start3A_114 = tpu.memref_slice %arg10[%dma_start3A_112, %dma_start3A_113] : memref<128x128xf32, #tpu.memory_space<vmem>> -> memref<64x128xf32, #tpu.memory_space<vmem>>
          %dma_start3A_115 = arith.constant 0 : i32
          %dma_start3A_116 = tpu.memref_slice %arg7[%add3A_111, %dma_start3A_115] : memref<16x128xi32, #tpu.memory_space<vmem>> -> memref<1x64xi32, #tpu.memory_space<vmem>>
          %dma_start3A_117 = tpu.memref_squeeze %dma_start3A_116 : memref<1x64xi32, #tpu.memory_space<vmem>> -> memref<64xi32, #tpu.memory_space<vmem>>
          %dma_start3A_118 = arith.constant 0 : i32
          %dma_start3A_119 = arith.constant 0 : i32
          %dma_start3A_120 = tpu.memref_slice %arg4[%dma_start3A_118, %dma_start3A_119] : memref<20480x128xf32, #tpu.memory_space<hbm>> -> memref<20480x128xf32, #tpu.memory_space<hbm>>
          tpu.enqueue_indirect_dma source(%dma_start3A_120 : memref<20480x128xf32, #tpu.memory_space<hbm>>) target(%dma_start3A_114 : memref<64x128xf32, #tpu.memory_space<vmem>>) offsets(%dma_start3A_117 : memref<64xi32, #tpu.memory_space<vmem>>) semaphore(%arg12 : memref<!tpu.dma_semaphore, #tpu.memory_space<semaphore_mem>>)
          %dma_start3A_121 = arith.constant 64 : i32
          %dma_start3A_122 = arith.constant 0 : i32
          %dma_start3A_123 = tpu.memref_slice %arg10[%dma_start3A_121, %dma_start3A_122] : memref<128x128xf32, #tpu.memory_space<vmem>> -> memref<64x128xf32, #tpu.memory_space<vmem>>
          %dma_start3A_124 = arith.constant 64 : i32
          %dma_start3A_125 = tpu.memref_slice %arg7[%add3A_111, %dma_start3A_124] : memref<16x128xi32, #tpu.memory_space<vmem>> -> memref<1x64xi32, #tpu.memory_space<vmem>>
          %dma_start3A_126 = tpu.memref_squeeze %dma_start3A_125 : memref<1x64xi32, #tpu.memory_space<vmem>> -> memref<64xi32, #tpu.memory_space<vmem>>
          %dma_start3A_127 = arith.constant 0 : i32
          %dma_start3A_128 = arith.constant 0 : i32
          %dma_start3A_129 = tpu.memref_slice %arg4[%dma_start3A_127, %dma_start3A_128] : memref<20480x128xf32, #tpu.memory_space<hbm>> -> memref<20480x128xf32, #tpu.memory_space<hbm>>
          tpu.enqueue_indirect_dma source(%dma_start3A_129 : memref<20480x128xf32, #tpu.memory_space<hbm>>) target(%dma_start3A_123 : memref<64x128xf32, #tpu.memory_space<vmem>>) offsets(%dma_start3A_126 : memref<64xi32, #tpu.memory_space<vmem>>) semaphore(%arg14 : memref<!tpu.dma_semaphore, #tpu.memory_space<semaphore_mem>>)
        } else {
        }
      }
      %scan3A_62 = arith.constant 8 : i32
    }
    %scan3A_9 = arith.constant 5 : i32
    %barrier3A_10 = arith.constant 0 : index
    tpu.barrier barrier_id(%barrier3A_10)
    "tpu.region"() ({
      %run_scoped3A = tpu.sem_alloc : memref<!tpu.dma_semaphore, #tpu.memory_space<semaphore_mem>>
      %dma_start3A = arith.constant 0 : i32
      %dma_start3A_11 = tpu.memref_slice %arg5[%arg0, %mul3A_0, %dma_start3A] : memref<2x10240x128xf32, #tpu.memory_space<hbm>> -> memref<1x640x128xf32, #tpu.memory_space<hbm>>
      %dma_start3A_12 = tpu.memref_squeeze %dma_start3A_11 : memref<1x640x128xf32, #tpu.memory_space<hbm>> -> memref<640x128xf32, #tpu.memory_space<hbm>>
      %dma_start3A_13 = arith.constant 0 : i32
      %dma_start3A_14 = tpu.memref_slice %arg6[%mul3A_0, %dma_start3A_13] : memref<10240x128xf32, #tpu.memory_space<vmem_shared>> -> memref<640x128xf32, #tpu.memory_space<vmem_shared>>
      tpu.enqueue_dma source(%dma_start3A_14 : memref<640x128xf32, #tpu.memory_space<vmem_shared>>) target(%dma_start3A_12 : memref<640x128xf32, #tpu.memory_space<hbm>>) target_semaphore(%run_scoped3A : memref<!tpu.dma_semaphore, #tpu.memory_space<semaphore_mem>>)
      %dma_wait3A = arith.constant 0 : i32
      %dma_wait3A_15 = tpu.memref_slice %arg5[%arg0, %mul3A_0, %dma_wait3A] : memref<2x10240x128xf32, #tpu.memory_space<hbm>> -> memref<1x640x128xf32, #tpu.memory_space<hbm>>
      %dma_wait3A_16 = tpu.memref_squeeze %dma_wait3A_15 : memref<1x640x128xf32, #tpu.memory_space<hbm>> -> memref<640x128xf32, #tpu.memory_space<hbm>>
      %dma_wait3A_17 = arith.constant 0 : i32
      %dma_wait3A_18 = tpu.memref_slice %arg6[%mul3A_0, %dma_wait3A_17] : memref<10240x128xf32, #tpu.memory_space<vmem_shared>> -> memref<640x128xf32, #tpu.memory_space<vmem_shared>>
      tpu.wait_dma2 semaphore(%run_scoped3A : memref<!tpu.dma_semaphore, #tpu.memory_space<semaphore_mem>>) src(%dma_wait3A_18 : memref<640x128xf32, #tpu.memory_space<vmem_shared>>) dst(%dma_wait3A_16 : memref<640x128xf32, #tpu.memory_space<hbm>>)
      tpu.yield
    }) : () -> ()
    return
  }
}

#map = affine_map<(d0, d1) -> (0, 0)>
#map1 = affine_map<(d0, d1) -> (0)>
module attributes {stable_mosaic.version = 14 : i64} {
  func.func @_deg_body(%arg0: i32, %arg1: i32, %arg2: memref<1280x128xi32, #tpu.memory_space<hbm>>, %arg3: memref<10240xf32, #tpu.memory_space<hbm>>, %arg4: memref<128xf32, #tpu.memory_space<hbm>>, %arg5: memref<2x10240xf32, #tpu.memory_space<hbm>>, %arg6: memref<10240xf32, #tpu.memory_space<vmem_shared>>, %arg7: memref<40x128xi32, #tpu.memory_space<vmem>>, %arg8: memref<128xf32, #tpu.memory_space<vmem>>) attributes {dimension_semantics = [#tpu.dimension_semantics<core_parallel>, #tpu.dimension_semantics<subcore_parallel>], iteration_bounds = array<i64: 2, 16>, scalar_prefetch = 0 : i64, scratch_operands = 3 : i64, tpu.core_type = #tpu.core_type<sc_vector_subcore>, window_params = [{transform_indices = #map}, {transform_indices = #map1}, {transform_indices = #map1}, {transform_indices = #map}]} {
    %mul3A = arith.constant 640 : i32
    %mul3A_0 = arith.muli %arg1, %mul3A : i32
    "tpu.region"() ({
      %run_scoped3A = tpu.sem_alloc : memref<!tpu.dma_semaphore, #tpu.memory_space<semaphore_mem>>
      %dma_start3A = tpu.memref_slice %arg6[%mul3A_0] : memref<10240xf32, #tpu.memory_space<vmem_shared>> -> memref<640xf32, #tpu.memory_space<vmem_shared>>
      %dma_start3A_11 = tpu.memref_slice %arg3[%mul3A_0] : memref<10240xf32, #tpu.memory_space<hbm>> -> memref<640xf32, #tpu.memory_space<hbm>>
      tpu.enqueue_dma source(%dma_start3A_11 : memref<640xf32, #tpu.memory_space<hbm>>) target(%dma_start3A : memref<640xf32, #tpu.memory_space<vmem_shared>>) target_semaphore(%run_scoped3A : memref<!tpu.dma_semaphore, #tpu.memory_space<semaphore_mem>>)
      %dma_wait3A = tpu.memref_slice %arg6[%mul3A_0] : memref<10240xf32, #tpu.memory_space<vmem_shared>> -> memref<640xf32, #tpu.memory_space<vmem_shared>>
      %dma_wait3A_12 = tpu.memref_slice %arg3[%mul3A_0] : memref<10240xf32, #tpu.memory_space<hbm>> -> memref<640xf32, #tpu.memory_space<hbm>>
      tpu.wait_dma2 semaphore(%run_scoped3A : memref<!tpu.dma_semaphore, #tpu.memory_space<semaphore_mem>>) src(%dma_wait3A_12 : memref<640xf32, #tpu.memory_space<hbm>>) dst(%dma_wait3A : memref<640xf32, #tpu.memory_space<vmem_shared>>)
      tpu.yield
    }) : () -> ()
    "tpu.region"() ({
      %run_scoped3A = tpu.sem_alloc : memref<!tpu.dma_semaphore, #tpu.memory_space<semaphore_mem>>
      tpu.enqueue_dma source(%arg4 : memref<128xf32, #tpu.memory_space<hbm>>) target(%arg8 : memref<128xf32, #tpu.memory_space<vmem>>) target_semaphore(%run_scoped3A : memref<!tpu.dma_semaphore, #tpu.memory_space<semaphore_mem>>)
      tpu.wait_dma2 semaphore(%run_scoped3A : memref<!tpu.dma_semaphore, #tpu.memory_space<semaphore_mem>>) src(%arg4 : memref<128xf32, #tpu.memory_space<hbm>>) dst(%arg8 : memref<128xf32, #tpu.memory_space<vmem>>)
      tpu.yield
    }) : () -> ()
    %mul3A_1 = arith.constant 16 : i32
    %mul3A_2 = arith.muli %arg0, %mul3A_1 : i32
    %add3A = arith.addi %mul3A_2, %arg1 : i32
    %mul3A_3 = arith.constant 40 : i32
    %mul3A_4 = arith.muli %add3A, %mul3A_3 : i32
    "tpu.region"() ({
      %run_scoped3A = tpu.sem_alloc : memref<!tpu.dma_semaphore, #tpu.memory_space<semaphore_mem>>
      %dma_start3A = arith.constant 0 : i32
      %dma_start3A_11 = tpu.memref_slice %arg2[%mul3A_4, %dma_start3A] : memref<1280x128xi32, #tpu.memory_space<hbm>> -> memref<40x128xi32, #tpu.memory_space<hbm>>
      %dma_start3A_12 = arith.constant 0 : i32
      %dma_start3A_13 = tpu.memref_slice %arg2[%mul3A_4, %dma_start3A_12] : memref<1280x128xi32, #tpu.memory_space<hbm>> -> memref<40x128xi32, #tpu.memory_space<hbm>>
      tpu.enqueue_dma source(%dma_start3A_13 : memref<40x128xi32, #tpu.memory_space<hbm>>) target(%arg7 : memref<40x128xi32, #tpu.memory_space<vmem>>) target_semaphore(%run_scoped3A : memref<!tpu.dma_semaphore, #tpu.memory_space<semaphore_mem>>)
      %dma_wait3A = arith.constant 0 : i32
      %dma_wait3A_14 = tpu.memref_slice %arg2[%mul3A_4, %dma_wait3A] : memref<1280x128xi32, #tpu.memory_space<hbm>> -> memref<40x128xi32, #tpu.memory_space<hbm>>
      %dma_wait3A_15 = arith.constant 0 : i32
      %dma_wait3A_16 = tpu.memref_slice %arg2[%mul3A_4, %dma_wait3A_15] : memref<1280x128xi32, #tpu.memory_space<hbm>> -> memref<40x128xi32, #tpu.memory_space<hbm>>
      tpu.wait_dma2 semaphore(%run_scoped3A : memref<!tpu.dma_semaphore, #tpu.memory_space<semaphore_mem>>) src(%dma_wait3A_16 : memref<40x128xi32, #tpu.memory_space<hbm>>) dst(%arg7 : memref<40x128xi32, #tpu.memory_space<vmem>>)
      tpu.yield
    }) : () -> ()
    %barrier3A = arith.constant 0 : index
    tpu.barrier barrier_id(%barrier3A)
    %scan3A = arith.constant 0 : i32
    %scan3A_5 = arith.constant 0 : i32
    %scan3A_6 = arith.constant 40 : i32
    %scan3A_7 = arith.addi %scan3A_5, %scan3A_6 : i32
    %scan3A_8 = arith.constant 1 : i32
    scf.for %scan3A_11 = %scan3A_5 to %scan3A_7 step %scan3A_8  : i32 {
      "tpu.region"() ({
        %run_scoped3A = tpu.sem_alloc : memref<!tpu.dma_semaphore, #tpu.memory_space<semaphore_mem>>
        %dma_start3A = arith.constant 0 : i32
        %dma_start3A_12 = tpu.memref_slice %arg7[%scan3A_11, %dma_start3A] : memref<40x128xi32, #tpu.memory_space<vmem>> -> memref<1x128xi32, #tpu.memory_space<vmem>>
        %dma_start3A_13 = tpu.memref_squeeze %dma_start3A_12 : memref<1x128xi32, #tpu.memory_space<vmem>> -> memref<128xi32, #tpu.memory_space<vmem>>
        %dma_start3A_14 = arith.constant 0 : i32
        %dma_start3A_15 = tpu.memref_slice %arg6[%dma_start3A_14] : memref<10240xf32, #tpu.memory_space<vmem_shared>> -> memref<10240xf32, #tpu.memory_space<vmem_shared>>
        tpu.enqueue_indirect_dma source(%arg8 : memref<128xf32, #tpu.memory_space<vmem>>) target(%dma_start3A_15 : memref<10240xf32, #tpu.memory_space<vmem_shared>>) offsets(%dma_start3A_13 : memref<128xi32, #tpu.memory_space<vmem>>) semaphore(%run_scoped3A : memref<!tpu.dma_semaphore, #tpu.memory_space<semaphore_mem>>) {add = true}
        %dma_wait3A = arith.constant 0 : i32
        %dma_wait3A_16 = tpu.memref_slice %arg7[%scan3A_11, %dma_wait3A] : memref<40x128xi32, #tpu.memory_space<vmem>> -> memref<1x128xi32, #tpu.memory_space<vmem>>
        %dma_wait3A_17 = tpu.memref_squeeze %dma_wait3A_16 : memref<1x128xi32, #tpu.memory_space<vmem>> -> memref<128xi32, #tpu.memory_space<vmem>>
        %dma_wait3A_18 = arith.constant 0 : i32
        %dma_wait3A_19 = tpu.memref_slice %arg6[%dma_wait3A_18] : memref<10240xf32, #tpu.memory_space<vmem_shared>> -> memref<10240xf32, #tpu.memory_space<vmem_shared>>
        tpu.wait_indirect_dma semaphore(%run_scoped3A : memref<!tpu.dma_semaphore, #tpu.memory_space<semaphore_mem>>) src(%arg8 : memref<128xf32, #tpu.memory_space<vmem>>) dst(%dma_wait3A_19 : memref<10240xf32, #tpu.memory_space<vmem_shared>>)
        tpu.yield
      }) : () -> ()
    }
    %scan3A_9 = arith.constant 40 : i32
    %barrier3A_10 = arith.constant 0 : index
    tpu.barrier barrier_id(%barrier3A_10)
    "tpu.region"() ({
      %run_scoped3A = tpu.sem_alloc : memref<!tpu.dma_semaphore, #tpu.memory_space<semaphore_mem>>
      %dma_start3A = tpu.memref_slice %arg5[%arg0, %mul3A_0] : memref<2x10240xf32, #tpu.memory_space<hbm>> -> memref<1x640xf32, #tpu.memory_space<hbm>>
      %dma_start3A_11 = tpu.memref_squeeze %dma_start3A : memref<1x640xf32, #tpu.memory_space<hbm>> -> memref<640xf32, #tpu.memory_space<hbm>>
      %dma_start3A_12 = tpu.memref_slice %arg6[%mul3A_0] : memref<10240xf32, #tpu.memory_space<vmem_shared>> -> memref<640xf32, #tpu.memory_space<vmem_shared>>
      tpu.enqueue_dma source(%dma_start3A_12 : memref<640xf32, #tpu.memory_space<vmem_shared>>) target(%dma_start3A_11 : memref<640xf32, #tpu.memory_space<hbm>>) target_semaphore(%run_scoped3A : memref<!tpu.dma_semaphore, #tpu.memory_space<semaphore_mem>>)
      %dma_wait3A = tpu.memref_slice %arg5[%arg0, %mul3A_0] : memref<2x10240xf32, #tpu.memory_space<hbm>> -> memref<1x640xf32, #tpu.memory_space<hbm>>
      %dma_wait3A_13 = tpu.memref_squeeze %dma_wait3A : memref<1x640xf32, #tpu.memory_space<hbm>> -> memref<640xf32, #tpu.memory_space<hbm>>
      %dma_wait3A_14 = tpu.memref_slice %arg6[%mul3A_0] : memref<10240xf32, #tpu.memory_space<vmem_shared>> -> memref<640xf32, #tpu.memory_space<vmem_shared>>
      tpu.wait_dma2 semaphore(%run_scoped3A : memref<!tpu.dma_semaphore, #tpu.memory_space<semaphore_mem>>) src(%dma_wait3A_14 : memref<640xf32, #tpu.memory_space<vmem_shared>>) dst(%dma_wait3A_13 : memref<640xf32, #tpu.memory_space<hbm>>)
      tpu.yield
    }) : () -> ()
    return
  }
}

module attributes {stable_mosaic.version = 14 : i64} {
  func.func @_mm_body(%arg0: i32, %arg1: memref<256x256xf32, #tpu.memory_space<vmem>>, %arg2: memref<256x256xf32, #tpu.memory_space<vmem>>, %arg3: memref<2x256x1xf32, #tpu.memory_space<vmem>>, %arg4: memref<2x256x128xf32, #tpu.memory_space<vmem>>, %arg5: memref<256x1xf32, #tpu.memory_space<vmem>>) attributes {dimension_semantics = [#tpu.dimension_semantics<arbitrary>], iteration_bounds = array<i64: 40>, scalar_prefetch = 0 : i64, scratch_operands = 0 : i64, tpu.core_type = #tpu.core_type<tc>, window_params = [{transform_indices = @transform_0, window_bounds = array<i64: 256, 256>}, {pipeline_mode = #tpu.pipeline_mode<synchronous>, transform_indices = @transform_1, window_bounds = array<i64: 256, 256>}, {transform_indices = @transform_2, window_bounds = array<i64: 2, 256, 1>}, {transform_indices = @transform_3, window_bounds = array<i64: 2, 256, 128>}, {transform_indices = @transform_4, window_bounds = array<i64: 256, 1>}]} {
    %get3A = arith.constant 0 : index
    %get3A_0 = arith.constant 0 : index
    %get3A_1 = arith.constant 0 : index
    %get3A_2 = vector.load %arg3[%get3A, %get3A_0, %get3A_1] : memref<2x256x1xf32, #tpu.memory_space<vmem>>, vector<1x256x1xf32>
    %get3A_3 = vector.shape_cast %get3A_2 : vector<1x256x1xf32> to vector<256x1xf32>
    %get3A_4 = arith.constant 1 : index
    %get3A_5 = arith.constant 0 : index
    %get3A_6 = arith.constant 0 : index
    %get3A_7 = vector.load %arg3[%get3A_4, %get3A_5, %get3A_6] : memref<2x256x1xf32, #tpu.memory_space<vmem>>, vector<1x256x1xf32>
    %get3A_8 = vector.shape_cast %get3A_7 : vector<1x256x1xf32> to vector<256x1xf32>
    %add3A = arith.addf %get3A_3, %get3A_8 : vector<256x1xf32>
    %add3A_9 = arith.constant 1.000000e+00 : f32
    %add3A_10 = vector.broadcast %add3A_9 : f32 to vector<256x1xf32>
    %add3A_11 = arith.addf %add3A, %add3A_10 : vector<256x1xf32>
    %rsqrt3A = math.rsqrt %add3A_11 : vector<256x1xf32>
    %get3A_12 = arith.constant 0 : index
    %get3A_13 = arith.constant 0 : index
    %get3A_14 = vector.load %arg1[%get3A_12, %get3A_13] : memref<256x256xf32, #tpu.memory_space<vmem>>, vector<256x256xf32>
    %get3A_15 = arith.constant 0 : index
    %get3A_16 = arith.constant 0 : index
    %get3A_17 = vector.load %arg2[%get3A_15, %get3A_16] : memref<256x256xf32, #tpu.memory_space<vmem>>, vector<256x256xf32>
    %dot_general3A = arith.constant dense<0.000000e+00> : vector<256x256xf32>
    %dot_general3A_18 = tpu.matmul %get3A_14, %get3A_17, %dot_general3A {dimension_numbers = #tpu.dot_dimension_numbers<[1], [0], [0], [1], [0, 0, 1, 1], [], []>, transpose_lhs_hint = false} : vector<256x256xf32>, vector<256x256xf32>, vector<256x256xf32> -> vector<256x256xf32>
    %slice3A = vector.extract_strided_slice %dot_general3A_18 {offsets = [0, 0], sizes = [256, 128], strides = [1, 1]} : vector<256x256xf32> to vector<256x128xf32>
    %mul3A = vector.broadcast %rsqrt3A : vector<256x1xf32> to vector<256x128xf32>
    %mul3A_19 = arith.mulf %slice3A, %mul3A : vector<256x128xf32>
    %swap3A = arith.constant 0 : index
    %swap3A_20 = arith.constant 0 : index
    %swap3A_21 = arith.constant 0 : index
    %swap3A_22 = vector.load %arg4[%swap3A, %swap3A_20, %swap3A_21] : memref<2x256x128xf32, #tpu.memory_space<vmem>>, vector<1x256x128xf32>
    %swap3A_23 = vector.shape_cast %swap3A_22 : vector<1x256x128xf32> to vector<256x128xf32>
    %swap3A_24 = vector.shape_cast %mul3A_19 : vector<256x128xf32> to vector<1x256x128xf32>
    tpu.vector_store %arg4[%swap3A, %swap3A_20, %swap3A_21], %swap3A_24 {strides = array<i32>} : memref<2x256x128xf32, #tpu.memory_space<vmem>>, vector<1x256x128xf32>,
    %slice3A_25 = vector.extract_strided_slice %dot_general3A_18 {offsets = [0, 128], sizes = [256, 128], strides = [1, 1]} : vector<256x256xf32> to vector<256x128xf32>
    %mul3A_26 = vector.broadcast %rsqrt3A : vector<256x1xf32> to vector<256x128xf32>
    %mul3A_27 = arith.mulf %slice3A_25, %mul3A_26 : vector<256x128xf32>
    %swap3A_28 = arith.constant 1 : index
    %swap3A_29 = arith.constant 0 : index
    %swap3A_30 = arith.constant 0 : index
    %swap3A_31 = vector.load %arg4[%swap3A_28, %swap3A_29, %swap3A_30] : memref<2x256x128xf32, #tpu.memory_space<vmem>>, vector<1x256x128xf32>
    %swap3A_32 = vector.shape_cast %swap3A_31 : vector<1x256x128xf32> to vector<256x128xf32>
    %swap3A_33 = vector.shape_cast %mul3A_27 : vector<256x128xf32> to vector<1x256x128xf32>
    tpu.vector_store %arg4[%swap3A_28, %swap3A_29, %swap3A_30], %swap3A_33 {strides = array<i32>} : memref<2x256x128xf32, #tpu.memory_space<vmem>>, vector<1x256x128xf32>,
    %swap3A_34 = arith.constant 0 : index
    %swap3A_35 = arith.constant 0 : index
    %swap3A_36 = vector.load %arg5[%swap3A_34, %swap3A_35] : memref<256x1xf32, #tpu.memory_space<vmem>>, vector<256x1xf32>
    tpu.vector_store %arg5[%swap3A_34, %swap3A_35], %rsqrt3A {strides = array<i32>} : memref<256x1xf32, #tpu.memory_space<vmem>>, vector<256x1xf32>,
    return
  }
  func.func @transform_0(%arg0: i32) -> (i32, i32) {
    %c0_i32 = arith.constant 0 : i32
    %c0_i32_0 = arith.constant 0 : i32
    return %arg0, %c0_i32 : i32, i32
  }
  func.func @transform_1(%arg0: i32) -> (i32, i32) {
    %c0_i32 = arith.constant 0 : i32
    %c0_i32_0 = arith.constant 0 : i32
    %c0_i32_1 = arith.constant 0 : i32
    return %c0_i32, %c0_i32_0 : i32, i32
  }
  func.func @transform_2(%arg0: i32) -> (i32, i32, i32) {
    %c0_i32 = arith.constant 0 : i32
    %c0_i32_0 = arith.constant 0 : i32
    %c0_i32_1 = arith.constant 0 : i32
    return %c0_i32, %arg0, %c0_i32_0 : i32, i32, i32
  }
  func.func @transform_3(%arg0: i32) -> (i32, i32, i32) {
    %c0_i32 = arith.constant 0 : i32
    %c0_i32_0 = arith.constant 0 : i32
    %c0_i32_1 = arith.constant 0 : i32
    return %c0_i32, %arg0, %c0_i32_0 : i32, i32, i32
  }
  func.func @transform_4(%arg0: i32) -> (i32, i32) {
    %c0_i32 = arith.constant 0 : i32
    %c0_i32_0 = arith.constant 0 : i32
    return %arg0, %c0_i32 : i32, i32
  }
}

module attributes {stable_mosaic.version = 14 : i64} {
  func.func @_out_body(%arg0: i32, %arg1: memref<2x256x128xf32, #tpu.memory_space<vmem>>, %arg2: memref<256x1xf32, #tpu.memory_space<vmem>>, %arg3: memref<1x256xf32, #tpu.memory_space<vmem>>, %arg4: memref<256x256xf32, #tpu.memory_space<vmem>>) attributes {dimension_semantics = [#tpu.dimension_semantics<arbitrary>], iteration_bounds = array<i64: 40>, scalar_prefetch = 0 : i64, scratch_operands = 0 : i64, tpu.core_type = #tpu.core_type<tc>, window_params = [{transform_indices = @transform_0, window_bounds = array<i64: 2, 256, 128>}, {transform_indices = @transform_1, window_bounds = array<i64: 256, 1>}, {pipeline_mode = #tpu.pipeline_mode<synchronous>, transform_indices = @transform_2, window_bounds = array<i64: 1, 256>}, {transform_indices = @transform_3, window_bounds = array<i64: 256, 256>}]} {
    %get3A = arith.constant 0 : index
    %get3A_0 = arith.constant 0 : index
    %get3A_1 = vector.load %arg2[%get3A, %get3A_0] : memref<256x1xf32, #tpu.memory_space<vmem>>, vector<256x1xf32>
    %get3A_2 = arith.constant 0 : index
    %get3A_3 = arith.constant 0 : index
    %get3A_4 = arith.constant 0 : index
    %get3A_5 = vector.load %arg1[%get3A_2, %get3A_3, %get3A_4] : memref<2x256x128xf32, #tpu.memory_space<vmem>>, vector<1x256x128xf32>
    %get3A_6 = vector.shape_cast %get3A_5 : vector<1x256x128xf32> to vector<256x128xf32>
    %get3A_7 = arith.constant 1 : index
    %get3A_8 = arith.constant 0 : index
    %get3A_9 = arith.constant 0 : index
    %get3A_10 = vector.load %arg1[%get3A_7, %get3A_8, %get3A_9] : memref<2x256x128xf32, #tpu.memory_space<vmem>>, vector<1x256x128xf32>
    %get3A_11 = vector.shape_cast %get3A_10 : vector<1x256x128xf32> to vector<256x128xf32>
    %concatenate3A = tpu.concatenate %get3A_6, %get3A_11 in 1 : vector<256x128xf32>, vector<256x128xf32> -> vector<256x256xf32>
    %mul3A = vector.broadcast %get3A_1 : vector<256x1xf32> to vector<256x256xf32>
    %mul3A_12 = arith.mulf %concatenate3A, %mul3A : vector<256x256xf32>
    %get3A_13 = arith.constant 0 : index
    %get3A_14 = arith.constant 0 : index
    %get3A_15 = vector.load %arg3[%get3A_13, %get3A_14] : memref<1x256xf32, #tpu.memory_space<vmem>>, vector<1x256xf32>
    %add3A = vector.broadcast %get3A_15 : vector<1x256xf32> to vector<256x256xf32>
    %add3A_16 = arith.addf %mul3A_12, %add3A : vector<256x256xf32>
    %max3A = arith.constant 0.000000e+00 : f32
    %max3A_17 = vector.broadcast %max3A : f32 to vector<256x256xf32>
    %max3A_18 = arith.maximumf %add3A_16, %max3A_17 : vector<256x256xf32>
    %swap3A = arith.constant 0 : index
    %swap3A_19 = arith.constant 0 : index
    %swap3A_20 = vector.load %arg4[%swap3A, %swap3A_19] : memref<256x256xf32, #tpu.memory_space<vmem>>, vector<256x256xf32>
    tpu.vector_store %arg4[%swap3A, %swap3A_19], %max3A_18 {strides = array<i32>} : memref<256x256xf32, #tpu.memory_space<vmem>>, vector<256x256xf32>,
    return
  }
  func.func @transform_0(%arg0: i32) -> (i32, i32, i32) {
    %c0_i32 = arith.constant 0 : i32
    %c0_i32_0 = arith.constant 0 : i32
    %c0_i32_1 = arith.constant 0 : i32
    return %c0_i32, %arg0, %c0_i32_0 : i32, i32, i32
  }
  func.func @transform_1(%arg0: i32) -> (i32, i32) {
    %c0_i32 = arith.constant 0 : i32
    %c0_i32_0 = arith.constant 0 : i32
    return %arg0, %c0_i32 : i32, i32
  }
  func.func @transform_2(%arg0: i32) -> (i32, i32) {
    %c0_i32 = arith.constant 0 : i32
    %c0_i32_0 = arith.constant 0 : i32
    %c0_i32_1 = arith.constant 0 : i32
    return %c0_i32, %c0_i32_0 : i32, i32
  }
  func.func @transform_3(%arg0: i32) -> (i32, i32) {
    %c0_i32 = arith.constant 0 : i32
    %c0_i32_0 = arith.constant 0 : i32
    return %arg0, %c0_i32 : i32, i32
  }
}

</mosaic_0001>

<sc_bundles>
// kernel: kernel.6.cloned.1.call-start
scs
__scs_entry_jumppad:
0x0: {  	(pc) =	sbr.rel $0x88, $3  }
0x1: {  	(tag) =	ssettag $0x0;
	lr =	simm.s32 $0x1  }
0x2: {  	[smem:$0x3F9D] =	sst lr;
	_ =	strace $0xD0000000  }
0x3: {  	_ = 	snop  }
0x4: {  	_ = 	snop  }
0x5: {  	_ = 	snop  }
0x6: {  	_ = 	snop  }
0x7: {  	_ = 	snop  }
__scs_overlays_trampoline_lowered:
0x8: {  	[smem:$0x3FAC] =	sst s0  }
0x9: {  	[smem:$0x3FAD] =	sst s1  }
0xa: {  	[smem:$0x3FAE] =	sst s2  }
0xb: {  	[smem:$0x3FAF] =	sst s3  }
0xc: {  	[smem:$0x3FB0] =	sst s4  }
0xd: {  	[smem:$0x3FB1] =	sst s5  }
0xe: {  	[smem:$0x3FB2] =	sst s6  }
0xf: {  	[smem:$0x3FB3] =	sst s7  }
0x10: {  	[smem:$0x3FB4] =	sst s8  }
0x11: {  	[smem:$0x3FB5] =	sst s9;
	s0 =	simm.s32 @!p0 $0x0  }
0x12: {  	s1 =	sld [smem:$0x3F9B];
	s0 =	simm.s32 @p0 $0x1  }
0x13: {  	[smem:$0x3FB6] =	sst s0;
	s0 =	simm.s32 @!p1 $0x0  }
0x14: {  	s2 =	sld [smem:$0x3F9A];
	s0 =	simm.s32 @p1 $0x1  }
0x15: {  	[smem:$0x3FB7] =	sst s0;
	s0 =	simm.s32 @!p2 $0x0  }
0x16: {  	s3 =	sld [smem:$0x3FDB];
	s0 =	simm.s32 @p2 $0x1  }
0x17: {  	s4 =	simm.s32 $0x1BF5;
	[smem:$0x3FB9] =	sst s0  }
0x18: {  	s0 =	sld [smem:$0x3F9C];
	_ =	swait.ge [sflag:s4], $0x0  }
0x19: {  	s7 =	sld [smem:$0x3F9D]  }
0x1a: {  	s8 =	sadd.s32 $0xFFFFE003, lr  }
0x1b: {  	s9 =	sadd.s32 $0xFFFFFEF7, lr;
	s5 =	simm.s32 $0xFFFFFFFF;
	p2 =	slt.u32 s8, $0xFFFFF086  }
0x1c: {  	p1 =	slt.u32 s9, $0xF7A;
	s5 =	simm.s32 @!p2 $0x0  }
0x1d: {  	s5 =	simm.s32 @p1 $0x1;
	p0 =	seq.s32 s7, s2  }
0x1e: {  	s7 =	smul.u32 @!p0 $0xF7A, s2;
	p2 =	seq.s32 @!p0 s5, $0x0  }
0x1f: {  	s9 =	smul.u32 $0xF7A, s1;
	s8 =	simm.s32 @!p0 $0x1BF5;
	p2 =	por !p2, p0  }
0x20: {  	[sflag:s8] =	ssyncset.s32 @!p0 $0xFFFFF086;
	s6 =	sadd.s32 @!p0 s3, s7;
	s7 =	simm.s32 @!p0 $0x108  }
0x21: {  	s3 =	sadd.s32 s3, s9;
	s6 =	sadd.s32 @!p0 $0x88, s6;
	s7 =	simm.s32 @p2 $0x1082  }
0x22: {  	[simem:s7], [sflag:s8] =	dma.local @!p0 [hbm:s6], $0xF7A  }
0x23: {  	s9 =	sor.u32 $0xD0000000, s2;
	s6 =	simm.s32 $0x108;
	_ =	swait.ge @!p0 [sflag:s8], $0x0  }
0x24: {  	s3 =	sadd.s32 $0x88, s3;
	s6 =	simm.s32 @!p1 $0x1082;
	[sflag:s4] =	ssyncset.s32 $0xFFFFF086  }
0x25: {  	[simem:s6], [sflag:s4] =	dma.local [hbm:s3], $0xF7A  }
0x26: {  	[smem:$0x3F9D] =	sst s1;
	(tag) =	ssettag s2;
	_ =	strace s9  }
0x27: {  	s1 =	sld [smem:$0x3FAD]  }
0x28: {  	s2 =	sld [smem:$0x3FAE]  }
0x29: {  	s4 =	sld [smem:$0x3FB0]  }
0x2a: {  	p0 =	seq.s32 s5, $0x0;
	s5 =	sld [smem:$0x3FB1]  }
0x2b: {  	s6 =	sld [smem:$0x3FB2]  }
0x2c: {  	s7 =	sld [smem:$0x3FB3]  }
0x2d: {  	s3 =	simm.s32 $0x108;
	s8 =	sld [smem:$0x3FB4]  }
0x2e: {  	s3 =	simm.s32 @!p0 $0x1082;
	s9 =	sld [smem:$0x3FB5]  }
0x2f: {  	lr =	sadd.s32 s0, s3;
	s0 =	sld [smem:$0x3FAC]  }
0x30: {  	s3 =	sld [smem:$0x3FAF]  }
0x31: {  	[smem:$0x3FB8] =	sst s10  }
0x32: {  	s10 =	sld [smem:$0x3FB6];
	_ =	sdelay $0x3  }
0x33: {  	p0 =	seq.s32 s10, $0x1;
	s10 =	sld [smem:$0x3FB8];
	_ =	sdelay $0x3  }
0x34: {  	[smem:$0x3FB8] =	sst s10  }
0x35: {  	s10 =	sld [smem:$0x3FB7];
	_ =	sdelay $0x3  }
0x36: {  	p1 =	seq.s32 s10, $0x1;
	s10 =	sld [smem:$0x3FB8];
	_ =	sdelay $0x3  }
0x37: {  	[smem:$0x3FB8] =	sst s10  }
0x38: {  	s10 =	sld [smem:$0x3FB9]  }
0x39: {  	_ = 	snop;
	(pc) =	sbr.ind lr, $3  }
0x3a: {  	_ = 	snop  }
0x3b: {  	_ = 	snop  }
0x3c: {  	p2 =	seq.s32 s10, $0x1;
	s10 =	sld [smem:$0x3FB8]  }
0x3d: {  	_ =	shalt  }
0x3e: {  	_ =	shalt  }
0x3f: {  	_ =	shalt  }
0x40: {  	_ =	shalt  }
0x41: {  	_ =	shalt  }
0x42: {  	_ =	shalt  }
0x43: {  	_ =	shalt  }
0x44: {  	_ =	shalt  }
0x45: {  	_ =	shalt  }
0x46: {  	_ =	shalt  }
0x47: {  	_ =	shalt  }
0x48: {  	_ =	shalt  }
0x49: {  	_ =	shalt  }
0x4a: {  	_ =	shalt  }
0x4b: {  	_ =	shalt  }
0x4c: {  	_ =	shalt  }
0x4d: {  	_ =	shalt  }
0x4e: {  	_ =	shalt  }
0x4f: {  	_ =	shalt  }
0x50: {  	_ =	shalt  }
0x51: {  	_ =	shalt  }
0x52: {  	_ =	shalt  }
0x53: {  	_ =	shalt  }
0x54: {  	_ =	shalt  }
0x55: {  	_ =	shalt  }
0x56: {  	_ =	shalt  }
0x57: {  	_ =	shalt  }
0x58: {  	_ =	shalt  }
0x59: {  	_ =	shalt  }
0x5a: {  	_ =	shalt  }
0x5b: {  	_ =	shalt  }
0x5c: {  	_ =	shalt  }
0x5d: {  	_ =	shalt  }
0x5e: {  	_ =	shalt  }
0x5f: {  	_ =	shalt  }
0x60: {  	_ =	shalt  }
0x61: {  	_ =	shalt  }
0x62: {  	_ =	shalt  }
0x63: {  	_ =	shalt  }
0x64: {  	_ =	shalt  }
0x65: {  	_ =	shalt  }
0x66: {  	_ =	shalt  }
0x67: {  	_ =	shalt  }
0x68: {  	_ =	shalt  }
0x69: {  	_ =	shalt  }
0x6a: {  	_ =	shalt  }
0x6b: {  	_ =	shalt  }
0x6c: {  	_ =	shalt  }
0x6d: {  	_ =	shalt  }
0x6e: {  	_ =	shalt  }
0x6f: {  	_ =	shalt  }
0x70: {  	_ =	shalt  }
0x71: {  	_ =	shalt  }
0x72: {  	_ =	shalt  }
0x73: {  	_ =	shalt  }
0x74: {  	_ =	shalt  }
0x75: {  	_ =	shalt  }
0x76: {  	_ =	shalt  }
0x77: {  	_ =	shalt  }
0x78: {  	_ =	shalt  }
0x79: {  	_ =	shalt  }
0x7a: {  	_ =	shalt  }
0x7b: {  	_ =	shalt  }
0x7c: {  	_ =	shalt  }
0x7d: {  	_ =	shalt  }
0x7e: {  	_ =	shalt  }
0x7f: {  	_ =	shalt  }
0x80: {  	_ =	shalt  }
0x81: {  	_ =	shalt  }
0x82: {  	_ =	shalt  }
0x83: {  	_ =	shalt  }
0x84: {  	_ =	shalt  }
0x85: {  	_ =	shalt  }
0x86: {  	_ =	shalt  }
0x87: {  	_ =	shalt  }
.Lfunc_end0:
.L_simem_size_0:
called_computation_lowered:
.L_overlay_start_0:
0x88: {  	s2 =	sld [smem:$0x3FD9]  }
0x89: {  	s3 =	sld [smem:$0x3FFE];
	_ =	sdelay $0x1  }
0x8a: {  	s1 =	srdreg.scid  }
0x8b: {  	s0 =	sand.u32 $0x1, s1  }
0x8c: {  	s16 =	sshll.u32 s0, $0xA;
	s2 =	sadd.s32 s3, s2  }
0x8d: {  	s2 =	sadd.s32 s2, s16  }
0x8e: {  	[smem:$0x3FC4] =	sst s2  }
0x8f: {  	_ = 	snop  }
0x90: {  	(tm) =	ssettm $0x1  }
0x91: {  	s17 =	sld [smem:$0x3FFB];
	_ =	sdelay $0x3  }
0x92: {  	_ =	strace s17  }
0x93: {  	s2 =	sld [smem:$0x3FFC];
	_ =	sdelay $0x3  }
0x94: {  	_ =	strace s2  }
0x95: {  	s2 =	sld [smem:$0x3FFD];
	_ =	sdelay $0x3  }
0x96: {  	_ =	strace s2  }
0x97: {  	_ =	strace $0x8FFFFFFF  }
0x98: {  	s18 =	sld [smem:$0x3FDB];
	_ =	sdelay $0x1  }
0x99: {  	s19 =	simm.s32 $_scs_section_size  }
0x9a: {  	s4 =	simm.s32 $_size__tile_overlayer_lowered;
	s5 =	simm.s32 $_tile_overlayer_lowered  }
0x9b: {  	s22 =	simm.s32 $0x1BFF;
	s21 =	sshll.u32 s5, $0x1;
	s2 =	sadd.s32 s19, s18  }
0x9c: {  	s6 =	simm.s32 $0x0;
	s20 =	sshll.u32 s4, $0x1;
	s4 =	sadd.s32 s21, s2  }
0x9d: {  	[timem:s6], [sflag:s22] =	dma.local [hbm:s4], s20  }
0x9e: {  	_ =	swait.ge [sflag:s22], s20  }
0x9f: {  	s3 =	ssub.s32 $0x0, s20;
	[sflag:s22] =	ssyncset.done $0x0  }
0xa0: {  	[sflag:s22] =	ssyncadd.s32 s3;
	_ =	sdelay $0x1  }
0xa1: {  	s23 =	simm.s32 $0x1B8B  }
0xa2: {  	_ =	swait.ge [sflag:s23], $0x1  }
0xa3: {  	[sflag:s23] =	ssyncset.done $0x0  }
0xa4: {  	s25 =	simm.s32 $0x1B8E;
	s24 =	sld [smem:$0x3FFE];
	[sflag:s23] =	ssyncadd.s32 $0xFFFFFFFF  }
0xa5: {  	s26 =	simm.s32 $execute0_lowered;
	[smem:$0x3FD2] =	sst s25  }
0xa6: {  	s4 =	sshll.u32 s26, $0x1;
	_ =	strace $0x80000046;
	[dreg:$0x1] =	wrdreg $0xFFFFFFFF  }
0xa7: {  	s28 =	simm.s32 $_size_execute0_lowered;
	s2 =	sadd.s32 s2, s4;
	[dreg:$0x0] =	wrdreg $0x0  }
0xa8: {  	s4 =	sshll.u32 s28, $0x1;
	[dreg:$0x2] =	wrdreg s2  }
0xa9: {  	[dreg:$0x3] =	wrdreg s4  }
0xaa: {  	[dreg:$0x4] =	wrdreg $0xC0  }
0xab: {  	_ =	task [dreg:s6], $0x5FFFF  }
0xac: {  	[dreg:$0x1] =	wrdreg $0xFFFFFFFF  }
0xad: {  	[dreg:$0x0] =	wrdreg $0x60  }
0xae: {  	[dreg:$0x2] =	wrdreg s24  }
0xaf: {  	[dreg:$0x3] =	wrdreg $0x0  }
0xb0: {  	[dreg:$0x4] =	wrdreg $0x9  }
0xb1: {  	_ =	task.clear_ibuf [dreg:s6], $0x5FFFF;
	_ =	strace $0x90000046  }
0xb2: {  	s29 =	simm.s32 $0x9;
	_ =	strace $0x80000048  }
0xb3: {  	_ =	swait.ge [sflag:s29], $0x1  }
0xb4: {  	[sflag:s29] =	ssyncadd.s32 $0xFFFFFFFF  }
0xb5: {  	_ =	strace $0x90000048  }
0xb6: {  	_ =	sfence  }
0xb7: {  	s30 =	sld [smem:$0x0];
	_ =	sdelay $0x2  }
0xb8: {  	s31 =	sshll.u32 s1, $0xD;
	s1 =	sshrl.u32 s1, $0x2  }
0xb9: {  	s3 =	sand.u32 $0x4000, s31;
	s1 =	sadd.s32 s1, s30  }
0xba: {  	s0 =	sor.u32 s3, s0;
	s1 =	sshll.u32 s1, $0x11  }
0xbb: {  	s0 =	sor.u32 s1, s0  }
0xbc: {  	s0 =	sadd.s32 $0x8F2B, s0  }
0xbd: {  	[sflag:s0] =	ssyncadd.remote.s32 $0x1  }
0xbe: {  	_ =	sfence.sel $0xFFFF  }
0xbf: {  	[dreg:$0x0] =	wrdreg $0xFFFFFFFF;
	(pc) =	sbr.abs _section_cstart, $3  }
0xc0: {  	[dreg:$0x1] =	wrdreg $0xFFFFFFFF  }
0xc1: {  	_ =	task.clear_ibuf [dreg:s6], $0x2FFFF;
	_ =	strace $0x9FFFFFFF  }
0xc2: {  	(tm) =	ssettm $0x7FFFFFFF  }
0xc3: {  	_ =	shalt  }
tec
execute0_lowered:
.L_overlay_start_1:
0x0: {  	(tag) =	ssettag $0x1  }
0x1: {  	s5 =	rddreg [dreg:$0x0]  }
0x2: {  	s0 =	srdreg.scid;
	s2 =	rddreg [dreg:$0x1];
	s3 =	simm.s32 $0x0  }
0x3: {  	s14 =	simm.s32 $0x80;
	s15 =	simm.s32 $0x20;
	s16 =	simm.s32 $0x10  }
0x4: {  	s17 =	simm.s32 $0x0;
	s4 =	sand.u32 $0x1, s0;
	s0 =	stileid.u32  }
0x5: {  	[smem:$0x7FF] =	sst s3;
	s1 =	sshll.u32 s4, $0x4;
	s7 =	smul.u32 $0x280, s0  }
0x6: {  	s8 =	smul.u32 $0x500, s0;
	s29 =	sshll.u32 s4, $0x7;
	s30 =	ssub.s32 $0x2, s4  }
0x7: {  	s4 =	sadd.s32 $0x6600, s5;
	s31 =	sshll.u32 s0, $0x6;
	s1 =	sor.u32 s0, s1  }
0x8: {  	s11 =	sshrl.u32 s30, $0x1;
	s6 =	smul.u32 $0x280, s1;
	s1 =	rddreg [dreg:$0x2]  }
0x9: {  	_ =	strace $0x80000047;
	s10 =	sshrl.u32 s7, $0x3;
	s11 =	ssub.s32 s30, s11  }
0xa: {  	s13 =	sadd.s32 s7, s2;
	s9 =	sadd.s32 s6, s5;
	s6 =	sor.u32 s29, s8  }
0xb: {  	s10 =	sadd.s32 s10, s5;
	s6 =	sshrl.u32 s6, $0x3;
	s7 =	sadd.s32 $0x1600, s9  }
0xc: {  	s9 =	smax.u32 s11, $0x1;
	s11 =	simm.s32 $0x1;
	s12 =	sadd.s32 s6, s5  }
0xd: {  	s5 =	sadd.s32 $0x6800, s10;
	s6 =	sor.u32 $0x1C01, s31;
	s10 =	sshrl.u32 s13, $0x3  }
0xe: {  	s13 =	simm.s32 $0x280;
	s8 =	sadd.s32 $0x6E00, s12;
	s12 =	simm.s32 $0x1680  }
.LBB2_1:
0xf: {  	[spmem:s10], [sflag:s6] =	dma.local [hbm:s5], $0x50  }
0x10: {  	_ =	swait.ge [sflag:s11], $0x50  }
0x11: {  	[sflag:s11] =	ssyncset.done $0x0  }
0x12: {  	[sflag:s11] =	ssyncadd.s32 $0xFFFFFFB0  }
0x13: {  	[tilespmem:s12], [sflag:$0x1] =	stream.linear.gather [hbm4b:s4+s3], $0x80, $0x38;
	[tilespmem:$0x1700] =	vst v63  }
0x14: {  	_ =	swait.ge [sflag:s11], $0x80  }
0x15: {  	[sflag:s11] =	ssyncset.done $0x0  }
0x16: {  	[sflag:s11] =	ssyncadd.s32 $0xFFFFFF80  }
0x17: {  	[tilespmem:s13], [sflag:$0x1] =	stream.linear.gather [hbm4b:s7+s3], $0x1400, $0x38;
	[tilespmem:$0x1700] =	vst v63  }
0x18: {  	_ =	swait.ge [sflag:s11], $0x1400  }
0x19: {  	[sflag:s11] =	ssyncset.done $0x0  }
0x1a: {  	[sflag:s11] =	ssyncadd.s32 $0xFFFFEC00  }
0x1b: {  	s18 =	simm.s32 $0x280;
	[bflag:$0x0] =	sbarrier.arrive $0xFFFF  }
0x1c: {  	[spmem:s2] =	stream.indirect.scatter.add.f32 [tilespmem:s12], [sflag:$0x1], $0x1, s18, s14, $0xb8;
	[tilespmem:$0x1700] =	vst v63  }
0x1d: {  	s18 =	simm.s32 $0x200;
	_ =	swait.ge [sflag:s11], $0x80  }
.LBB2_2:
0x1e: {  	s19 =	sshra.s32 s18, $0x2;
	[sflag:s11] =	ssyncset.done $0x0;
	p0 =	sne.s32 s18, $0x4E00  }
.Ltmp0:
0x1f: {  	s19 =	sadd.s32 $0x280, s19;
	[sflag:s11] =	ssyncadd.s32 $0xFFFFFF80;
	(pc) =	sbr.rel @p0 .LBB2_2-.Ltmp0, $3  }
0x20: {  	[spmem:s2] =	stream.indirect.scatter.add.f32 [tilespmem:s12], [sflag:$0x1], $0x1, s19, s14, $0xb8;
	[tilespmem:$0x1700] =	vst v63  }
0x21: {  	s18 =	sadd.s32 $0x200, s18;
	_ =	sdelay $0x1  }
0x22: {  	_ =	swait.ge [sflag:s11], $0x80  }
0x23: {  	[sflag:s11] =	ssyncset.done $0x0;
	s17 =	sadd.s32 $0x1, s17  }
0x24: {  	[sflag:s11] =	ssyncadd.s32 $0xFFFFFF80;
	p0 =	sne.s32 s17, s9  }
.Ltmp1:
0x25: {  	[bflag:$0x0] =	sbarrier.arrive $0xFFFF;
	(pc) =	sbr.rel @p0 .LBB2_1-.Ltmp1, $4  }
0x26: {  	[hbm:s8@s15], [sflag:s6] =	dma.strided [spmem:s10@s16], $0x50, s11, $0x10   }
0x27: {  	_ =	swait.ge [sflag:s11], $0x50  }
0x28: {  	[sflag:s11] =	ssyncset.done $0x0  }
0x29: {  	[sflag:s11] =	ssyncadd.s32 $0xFFFFFFB0  }
0x2a: {  	_ =	sfence.sel $0x180000  }
0x2b: {  	[bflag:$0x0] =	sbarrier.arrive $0xFFFF  }
0x2c: {  	p0 =	sne.s32 s0, $0x0;
	_ =	strace $0x90000047  }
0x2d: {  	s0 =	sadd.s32 @!p0 $0x100000, s1;
	[bflag:$0x2] =	sbarrier.arrive $0xFFFF  }
0x2e: {  	[sflag:s0] =	ssyncadd.tile.s32 @!p0 $0x1;
	_ =	shalt  }
.Lfunc_end2:
_tile_overlayer_lowered:
.L_overlay_start_2:
0x2f: {  	(tag) =	ssettag $0x2  }
0x30: {  	s0 =	rddreg [dreg:$0x0];
	s2 =	stileid.u32  }
0x31: {  	s1 =	rddreg [dreg:$0x1];
	p0 =	sne.s32 s2, $0x0  }
0x32: {  	s3 =	rddreg [dreg:$0x2];
	[bflag:$0x3] =	sbarrier.arrive $0xFFFF;
	s2 =	simm.s32 @!p0 $0x1C01  }
0x33: {  	[timem:s3], [sflag:s2] =	dma.local @!p0 [hbm:s0], s1  }
0x34: {  	s0 =	simm.s32 @!p0 $0x1  }
0x35: {  	_ =	swait.ge @!p0 [sflag:s0], s1  }
0x36: {  	s1 =	ssub.s32 @!p0 $0x0, s1;
	[sflag:s0] =	ssyncset.done @!p0 $0x0  }
0x37: {  	[sflag:s0] =	ssyncadd.s32 @!p0 s1  }
0x38: {  	[bflag:$0x3] =	sbarrier.arrive $0xFFFF  }
0x39: {  	_ =	shalt  }

// kernel: kernel.9.cloned.1.call-start
scs
__scs_entry_jumppad:
0x0: {  	(pc) =	sbr.rel $0x88, $3  }
0x1: {  	(tag) =	ssettag $0x0;
	lr =	simm.s32 $0x1  }
0x2: {  	[smem:$0x3F9D] =	sst lr;
	_ =	strace $0xD0000000  }
0x3: {  	_ = 	snop  }
0x4: {  	_ = 	snop  }
0x5: {  	_ = 	snop  }
0x6: {  	_ = 	snop  }
0x7: {  	_ = 	snop  }
__scs_overlays_trampoline_lowered:
0x8: {  	[smem:$0x3FAC] =	sst s0  }
0x9: {  	[smem:$0x3FAD] =	sst s1  }
0xa: {  	[smem:$0x3FAE] =	sst s2  }
0xb: {  	[smem:$0x3FAF] =	sst s3  }
0xc: {  	[smem:$0x3FB0] =	sst s4  }
0xd: {  	[smem:$0x3FB1] =	sst s5  }
0xe: {  	[smem:$0x3FB2] =	sst s6  }
0xf: {  	[smem:$0x3FB3] =	sst s7  }
0x10: {  	[smem:$0x3FB4] =	sst s8  }
0x11: {  	[smem:$0x3FB5] =	sst s9;
	s0 =	simm.s32 @!p0 $0x0  }
0x12: {  	s1 =	sld [smem:$0x3F9B];
	s0 =	simm.s32 @p0 $0x1  }
0x13: {  	[smem:$0x3FB6] =	sst s0;
	s0 =	simm.s32 @!p1 $0x0  }
0x14: {  	s2 =	sld [smem:$0x3F9A];
	s0 =	simm.s32 @p1 $0x1  }
0x15: {  	[smem:$0x3FB7] =	sst s0;
	s0 =	simm.s32 @!p2 $0x0  }
0x16: {  	s3 =	sld [smem:$0x3FDB];
	s0 =	simm.s32 @p2 $0x1  }
0x17: {  	s4 =	simm.s32 $0x1BF5;
	[smem:$0x3FB9] =	sst s0  }
0x18: {  	s0 =	sld [smem:$0x3F9C];
	_ =	swait.ge [sflag:s4], $0x0  }
0x19: {  	s7 =	sld [smem:$0x3F9D]  }
0x1a: {  	s8 =	sadd.s32 $0xFFFFE003, lr  }
0x1b: {  	s9 =	sadd.s32 $0xFFFFFEF7, lr;
	s5 =	simm.s32 $0xFFFFFFFF;
	p2 =	slt.u32 s8, $0xFFFFF086  }
0x1c: {  	p1 =	slt.u32 s9, $0xF7A;
	s5 =	simm.s32 @!p2 $0x0  }
0x1d: {  	s5 =	simm.s32 @p1 $0x1;
	p0 =	seq.s32 s7, s2  }
0x1e: {  	s7 =	smul.u32 @!p0 $0xF7A, s2;
	p2 =	seq.s32 @!p0 s5, $0x0  }
0x1f: {  	s9 =	smul.u32 $0xF7A, s1;
	s8 =	simm.s32 @!p0 $0x1BF5;
	p2 =	por !p2, p0  }
0x20: {  	[sflag:s8] =	ssyncset.s32 @!p0 $0xFFFFF086;
	s6 =	sadd.s32 @!p0 s3, s7;
	s7 =	simm.s32 @!p0 $0x108  }
0x21: {  	s3 =	sadd.s32 s3, s9;
	s6 =	sadd.s32 @!p0 $0x88, s6;
	s7 =	simm.s32 @p2 $0x1082  }
0x22: {  	[simem:s7], [sflag:s8] =	dma.local @!p0 [hbm:s6], $0xF7A  }
0x23: {  	s9 =	sor.u32 $0xD0000000, s2;
	s6 =	simm.s32 $0x108;
	_ =	swait.ge @!p0 [sflag:s8], $0x0  }
0x24: {  	s3 =	sadd.s32 $0x88, s3;
	s6 =	simm.s32 @!p1 $0x1082;
	[sflag:s4] =	ssyncset.s32 $0xFFFFF086  }
0x25: {  	[simem:s6], [sflag:s4] =	dma.local [hbm:s3], $0xF7A  }
0x26: {  	[smem:$0x3F9D] =	sst s1;
	(tag) =	ssettag s2;
	_ =	strace s9  }
0x27: {  	s1 =	sld [smem:$0x3FAD]  }
0x28: {  	s2 =	sld [smem:$0x3FAE]  }
0x29: {  	s4 =	sld [smem:$0x3FB0]  }
0x2a: {  	p0 =	seq.s32 s5, $0x0;
	s5 =	sld [smem:$0x3FB1]  }
0x2b: {  	s6 =	sld [smem:$0x3FB2]  }
0x2c: {  	s7 =	sld [smem:$0x3FB3]  }
0x2d: {  	s3 =	simm.s32 $0x108;
	s8 =	sld [smem:$0x3FB4]  }
0x2e: {  	s3 =	simm.s32 @!p0 $0x1082;
	s9 =	sld [smem:$0x3FB5]  }
0x2f: {  	lr =	sadd.s32 s0, s3;
	s0 =	sld [smem:$0x3FAC]  }
0x30: {  	s3 =	sld [smem:$0x3FAF]  }
0x31: {  	[smem:$0x3FB8] =	sst s10  }
0x32: {  	s10 =	sld [smem:$0x3FB6];
	_ =	sdelay $0x3  }
0x33: {  	p0 =	seq.s32 s10, $0x1;
	s10 =	sld [smem:$0x3FB8];
	_ =	sdelay $0x3  }
0x34: {  	[smem:$0x3FB8] =	sst s10  }
0x35: {  	s10 =	sld [smem:$0x3FB7];
	_ =	sdelay $0x3  }
0x36: {  	p1 =	seq.s32 s10, $0x1;
	s10 =	sld [smem:$0x3FB8];
	_ =	sdelay $0x3  }
0x37: {  	[smem:$0x3FB8] =	sst s10  }
0x38: {  	s10 =	sld [smem:$0x3FB9]  }
0x39: {  	_ = 	snop;
	(pc) =	sbr.ind lr, $3  }
0x3a: {  	_ = 	snop  }
0x3b: {  	_ = 	snop  }
0x3c: {  	p2 =	seq.s32 s10, $0x1;
	s10 =	sld [smem:$0x3FB8]  }
0x3d: {  	_ =	shalt  }
0x3e: {  	_ =	shalt  }
0x3f: {  	_ =	shalt  }
0x40: {  	_ =	shalt  }
0x41: {  	_ =	shalt  }
0x42: {  	_ =	shalt  }
0x43: {  	_ =	shalt  }
0x44: {  	_ =	shalt  }
0x45: {  	_ =	shalt  }
0x46: {  	_ =	shalt  }
0x47: {  	_ =	shalt  }
0x48: {  	_ =	shalt  }
0x49: {  	_ =	shalt  }
0x4a: {  	_ =	shalt  }
0x4b: {  	_ =	shalt  }
0x4c: {  	_ =	shalt  }
0x4d: {  	_ =	shalt  }
0x4e: {  	_ =	shalt  }
0x4f: {  	_ =	shalt  }
0x50: {  	_ =	shalt  }
0x51: {  	_ =	shalt  }
0x52: {  	_ =	shalt  }
0x53: {  	_ =	shalt  }
0x54: {  	_ =	shalt  }
0x55: {  	_ =	shalt  }
0x56: {  	_ =	shalt  }
0x57: {  	_ =	shalt  }
0x58: {  	_ =	shalt  }
0x59: {  	_ =	shalt  }
0x5a: {  	_ =	shalt  }
0x5b: {  	_ =	shalt  }
0x5c: {  	_ =	shalt  }
0x5d: {  	_ =	shalt  }
0x5e: {  	_ =	shalt  }
0x5f: {  	_ =	shalt  }
0x60: {  	_ =	shalt  }
0x61: {  	_ =	shalt  }
0x62: {  	_ =	shalt  }
0x63: {  	_ =	shalt  }
0x64: {  	_ =	shalt  }
0x65: {  	_ =	shalt  }
0x66: {  	_ =	shalt  }
0x67: {  	_ =	shalt  }
0x68: {  	_ =	shalt  }
0x69: {  	_ =	shalt  }
0x6a: {  	_ =	shalt  }
0x6b: {  	_ =	shalt  }
0x6c: {  	_ =	shalt  }
0x6d: {  	_ =	shalt  }
0x6e: {  	_ =	shalt  }
0x6f: {  	_ =	shalt  }
0x70: {  	_ =	shalt  }
0x71: {  	_ =	shalt  }
0x72: {  	_ =	shalt  }
0x73: {  	_ =	shalt  }
0x74: {  	_ =	shalt  }
0x75: {  	_ =	shalt  }
0x76: {  	_ =	shalt  }
0x77: {  	_ =	shalt  }
0x78: {  	_ =	shalt  }
0x79: {  	_ =	shalt  }
0x7a: {  	_ =	shalt  }
0x7b: {  	_ =	shalt  }
0x7c: {  	_ =	shalt  }
0x7d: {  	_ =	shalt  }
0x7e: {  	_ =	shalt  }
0x7f: {  	_ =	shalt  }
0x80: {  	_ =	shalt  }
0x81: {  	_ =	shalt  }
0x82: {  	_ =	shalt  }
0x83: {  	_ =	shalt  }
0x84: {  	_ =	shalt  }
0x85: {  	_ =	shalt  }
0x86: {  	_ =	shalt  }
0x87: {  	_ =	shalt  }
.Lfunc_end0:
.L_simem_size_0:
called_computation.1_lowered:
.L_overlay_start_0:
0x88: {  	s2 =	sld [smem:$0x3FD9]  }
0x89: {  	s3 =	sld [smem:$0x3FFE];
	_ =	sdelay $0x1  }
0x8a: {  	s1 =	srdreg.scid  }
0x8b: {  	s0 =	sand.u32 $0x1, s1  }
0x8c: {  	s17 =	sshll.u32 s0, $0xA;
	s2 =	sadd.s32 s3, s2  }
0x8d: {  	s2 =	sadd.s32 s2, s17  }
0x8e: {  	[smem:$0x3FC4] =	sst s2  }
0x8f: {  	_ = 	snop  }
0x90: {  	s2 =	sld [smem:$0x3FD0];
	(tm) =	ssettm $0x1  }
0x91: {  	s18 =	sld [smem:$0x3FFB];
	_ =	sdelay $0x3  }
0x92: {  	_ =	strace s18  }
0x93: {  	s3 =	sld [smem:$0x3FFC];
	_ =	sdelay $0x3  }
0x94: {  	_ =	strace s3  }
0x95: {  	s3 =	sld [smem:$0x3FFD];
	_ =	sdelay $0x3  }
0x96: {  	_ =	strace s3  }
0x97: {  	_ =	strace $0x8FFFFFFF  }
0x98: {  	s19 =	sld [smem:$0x3FDB];
	_ =	sdelay $0x1  }
0x99: {  	s4 =	simm.s32 $_scs_section_size  }
0x9a: {  	s5 =	simm.s32 $_size__tile_overlayer_lowered;
	s6 =	simm.s32 $_tile_overlayer_lowered  }
0x9b: {  	s22 =	simm.s32 $0x1BFF;
	s21 =	sshll.u32 s6, $0x1;
	s3 =	sadd.s32 s4, s19  }
0x9c: {  	s7 =	simm.s32 $0x0;
	s20 =	sshll.u32 s5, $0x1;
	s5 =	sadd.s32 s21, s3  }
0x9d: {  	[timem:s7], [sflag:s22] =	dma.local [hbm:s5], s20  }
0x9e: {  	_ =	swait.ge [sflag:s22], s20  }
0x9f: {  	s4 =	ssub.s32 $0x0, s20;
	[sflag:s22] =	ssyncset.done $0x0  }
0xa0: {  	[sflag:s22] =	ssyncadd.s32 s4;
	_ =	sdelay $0x1  }
0xa1: {  	s23 =	simm.s32 $0x1B8B  }
0xa2: {  	_ =	swait.ge [sflag:s23], $0x1  }
0xa3: {  	[sflag:s23] =	ssyncset.done $0x0  }
0xa4: {  	s25 =	simm.s32 $0x1B8E;
	s24 =	sld [smem:$0x3FFE];
	[sflag:s23] =	ssyncadd.s32 $0xFFFFFFFF  }
0xa5: {  	s26 =	simm.s32 $execute0_lowered;
	[smem:$0x3FD2] =	sst s25  }
0xa6: {  	s5 =	sshll.u32 s26, $0x1;
	_ =	strace $0x80000049;
	[dreg:$0x1] =	wrdreg $0xFFFFFFFF  }
0xa7: {  	s28 =	simm.s32 $_size_execute0_lowered;
	s3 =	sadd.s32 s3, s5;
	[dreg:$0x0] =	wrdreg $0x0  }
0xa8: {  	s5 =	sshll.u32 s28, $0x1;
	[dreg:$0x2] =	wrdreg s3  }
0xa9: {  	[dreg:$0x3] =	wrdreg s5  }
0xaa: {  	[dreg:$0x4] =	wrdreg $0xC0  }
0xab: {  	_ =	task [dreg:s7], $0x5FFFF  }
0xac: {  	[dreg:$0x1] =	wrdreg $0xFFFFFFFF  }
0xad: {  	[dreg:$0x0] =	wrdreg $0x60  }
0xae: {  	[dreg:$0x2] =	wrdreg s2  }
0xaf: {  	[dreg:$0x3] =	wrdreg s24  }
0xb0: {  	[dreg:$0x4] =	wrdreg $0x0  }
0xb1: {  	[dreg:$0x5] =	wrdreg $0x9  }
0xb2: {  	_ =	task.clear_ibuf [dreg:s7], $0x6FFFF;
	_ =	strace $0x90000049  }
0xb3: {  	s29 =	simm.s32 $0x9;
	_ =	strace $0x8000004B  }
0xb4: {  	_ =	swait.ge [sflag:s29], $0x1  }
0xb5: {  	[sflag:s29] =	ssyncadd.s32 $0xFFFFFFFF  }
0xb6: {  	_ =	strace $0x9000004B  }
0xb7: {  	_ =	sfence  }
0xb8: {  	s30 =	sld [smem:$0x0];
	_ =	sdelay $0x2  }
0xb9: {  	s31 =	sshll.u32 s1, $0xD;
	s1 =	sshrl.u32 s1, $0x2  }
0xba: {  	s3 =	sand.u32 $0x4000, s31;
	s1 =	sadd.s32 s1, s30  }
0xbb: {  	s0 =	sor.u32 s3, s0;
	s1 =	sshll.u32 s1, $0x11  }
0xbc: {  	s0 =	sor.u32 s1, s0  }
0xbd: {  	s0 =	sadd.s32 $0x8F2B, s0  }
0xbe: {  	[sflag:s0] =	ssyncadd.remote.s32 $0x1  }
0xbf: {  	_ =	sfence.sel $0xFFFF  }
0xc0: {  	[dreg:$0x0] =	wrdreg $0xFFFFFFFF;
	(pc) =	sbr.abs _section_cstart, $3  }
0xc1: {  	[dreg:$0x1] =	wrdreg $0xFFFFFFFF  }
0xc2: {  	_ =	task.clear_ibuf [dreg:s7], $0x2FFFF;
	_ =	strace $0x9FFFFFFF  }
0xc3: {  	(tm) =	ssettm $0x7FFFFFFF  }
tec
execute0_lowered:
.L_overlay_start_1:
0x0: {  	(tag) =	ssettag $0x1  }
0x1: {  	s1 =	rddreg [dreg:$0x0]  }
0x2: {  	s5 =	rddreg [dreg:$0x1]  }
0x3: {  	s9 =	stileid.u32;
	s2 =	rddreg [dreg:$0x2];
	s3 =	simm.s32 $0x0  }
0x4: {  	s0 =	srdreg.scid;
	s25 =	simm.s32 $0x14040;
	[smem:$0x7FF] =	sst s3  }
0x5: {  	s26 =	simm.s32 $0x14080;
	_ =	strace $0x8000004A;
	[dreg:$0x6] =	wrdreg s25  }
0x6: {  	s8 =	simm.s32 $0x14140;
	s10 =	simm.s32 $0x14880;
	[dreg:$0x7] =	wrdreg s26  }
0x7: {  	s12 =	simm.s32 $0x14180;
	s13 =	simm.s32 $0x141C0;
	[dreg:$0xa] =	wrdreg s8  }
0x8: {  	s14 =	simm.s32 $0x14900;
	s15 =	simm.s32 $0x14200;
	[dreg:$0xb] =	wrdreg s10  }
0x9: {  	s16 =	simm.s32 $0x14240;
	s17 =	simm.s32 $0x14980;
	[dreg:$0xc] =	wrdreg s12  }
0xa: {  	s18 =	simm.s32 $0x14280;
	s20 =	simm.s32 $0x142C0;
	[dreg:$0xd] =	wrdreg s13  }
0xb: {  	s22 =	simm.s32 $0x14A00;
	s23 =	simm.s32 $0x14300;
	[dreg:$0xe] =	wrdreg s14  }
0xc: {  	s28 =	simm.s32 $0x14700;
	s4 =	smul.u32 $0x500, s9;
	[dreg:$0xf] =	wrdreg s15  }
0xd: {  	s29 =	simm.s32 $0x14740;
	s7 =	smul.u32 $0x2800, s9;
	[dreg:$0x10] =	wrdreg s16  }
0xe: {  	s0 =	sand.u32 $0x1, s0;
	s21 =	smul.u32 $0x50000, s9;
	[dreg:$0x11] =	wrdreg s17  }
0xf: {  	s30 =	simm.s32 $0x14E80;
	s6 =	smul.u32 $0x28000, s0;
	[dreg:$0x12] =	wrdreg s18  }
0x10: {  	s31 =	simm.s32 $0x14780;
	s11 =	smul.u32 $0x140000, s0;
	[dreg:$0x13] =	wrdreg s20  }
0x11: {  	s8 =	smul.u32 $0x14000, s9;
	s0 =	ssub.s32 $0x2, s0;
	[dreg:$0x14] =	wrdreg s22  }
0x12: {  	[dreg:$0x15] =	wrdreg s23;
	s25 =	simm.s32 $0x14340;
	s26 =	simm.s32 $0x14A80  }
0x13: {  	s10 =	sshll.u32 s9, $0x6;
	s12 =	simm.s32 $0x14B00;
	[dreg:$0x16] =	wrdreg s25  }
0x14: {  	s13 =	simm.s32 $0x14400;
	s14 =	simm.s32 $0x14440;
	[dreg:$0x17] =	wrdreg s26  }
0x15: {  	s15 =	simm.s32 $0x14B80;
	s16 =	simm.s32 $0x14480;
	[dreg:$0x1a] =	wrdreg s12  }
0x16: {  	s17 =	simm.s32 $0x144C0;
	s18 =	simm.s32 $0x14C00;
	[dreg:$0x1b] =	wrdreg s13  }
0x17: {  	s20 =	simm.s32 $0x14540;
	s22 =	simm.s32 $0x14580;
	[dreg:$0x1c] =	wrdreg s14  }
0x18: {  	s23 =	simm.s32 $0x145C0;
	s9 =	simm.s32 $0x0;
	[dreg:$0x1d] =	wrdreg s15  }
0x19: {  	s4 =	sadd.s32 s4, s5;
	s19 =	sshrl.u32 s0, $0x1;
	[dreg:$0x1e] =	wrdreg s16  }
0x1a: {  	s24 =	sshrl.u32 s21, $0x2;
	s12 =	simm.s32 $0x14800;
	[dreg:$0x1f] =	wrdreg s17  }
0x1b: {  	s13 =	simm.s32 $0x40;
	[smem:$0x7F3] =	sst s18;
	s14 =	simm.s32 $0x15000  }
0x1c: {  	s15 =	simm.s32 $0x17000;
	[smem:$0x7F5] =	sst s20;
	s21 =	simm.s32 $0x14C80  }
0x1d: {  	s16 =	simm.s32 $0x19000;
	s17 =	simm.s32 $0x1B000;
	[smem:$0x7F7] =	sst s22  }
0x1e: {  	s18 =	simm.s32 $0x1;
	[smem:$0x7F8] =	sst s23;
	s25 =	simm.s32 $0x14600  }
0x1f: {  	s20 =	simm.s32 $0x80;
	s26 =	simm.s32 $0x14640;
	s22 =	simm.s32 $0x4  }
0x20: {  	s23 =	simm.s32 $0x14D80;
	s6 =	sadd.s32 s7, s6;
	[smem:$0x7F6] =	sst s21  }
0x21: {  	s4 =	sadd.s32 $0x1600, s4;
	s0 =	ssub.s32 s0, s19;
	[smem:$0x7FA] =	sst s25  }
0x22: {  	s19 =	simm.s32 $0x14500;
	s21 =	simm.s32 $0x2;
	[smem:$0x7FB] =	sst s26  }
0x23: {  	s25 =	simm.s32 $0x146C0;
	s26 =	simm.s32 $0x14E00;
	[dreg:$0x4] =	wrdreg s4  }
0x24: {  	s7 =	sshrl.u32 s6, $0x3;
	s4 =	simm.s32 $0x140C0;
	[smem:$0x7F4] =	sst s19  }
0x25: {  	s0 =	smax.u32 s0, $0x1;
	s19 =	simm.s32 $0x3;
	[dreg:$0x8] =	wrdreg s4  }
0x26: {  	s1 =	sadd.s32 s7, s1;
	s7 =	simm.s32 $0x14100;
	[smem:$0x7F2] =	sst s0  }
0x27: {  	s4 =	sadd.s32 $0x57800, s5;
	s0 =	simm.s32 $0x14F00;
	[dreg:$0x5] =	wrdreg s1  }
0x28: {  	[dreg:$0x9] =	wrdreg s7;
	s7 =	sadd.s32 s8, s11;
	s6 =	sadd.s32 s4, s6  }
0x29: {  	s8 =	simm.s32 $0x14380;
	s11 =	simm.s32 $0x143C0;
	[smem:$0x7F0] =	sst s6  }
0x2a: {  	s1 =	simm.s32 $0x147C0;
	s7 =	sshrl.u32 s7, $0x3;
	[dreg:$0x18] =	wrdreg s8  }
0x2b: {  	s8 =	sor.u32 $0x1C05, s10;
	[dreg:$0x19] =	wrdreg s11;
	s5 =	sadd.s32 s7, s5  }
0x2c: {  	s7 =	sadd.s32 s24, s2;
	s24 =	simm.s32 $0x14D00;
	[smem:$0x7FC] =	sst s8  }
0x2d: {  	s10 =	simm.s32 $0x5;
	s5 =	sadd.s32 $0x6600, s5;
	[smem:$0x7F9] =	sst s24  }
0x2e: {  	s11 =	simm.s32 $0x14000;
	s7 =	sshrl.u32 s7, $0x3;
	[smem:$0x7F1] =	sst s5  }
0x2f: {  	s24 =	simm.s32 $0x14680;
	s5 =	simm.s32 $0x14F80;
	[smem:$0x7FD] =	sst s7  }
.LBB2_1:
0x30: {  	s6 =	sld [smem:$0x7F0];
	_ =	sdelay $0x1  }
0x31: {  	[smem:$0x7EF] =	sst s9  }
0x32: {  	[spmem:s7], [sflag:s8] =	dma.local [hbm:s6], $0x2800  }
0x33: {  	_ =	swait.ge [sflag:s10], $0x2800  }
0x34: {  	[sflag:s10] =	ssyncset.done $0x0  }
0x35: {  	[sflag:s10] =	ssyncadd.s32 $0xFFFFD800  }
0x36: {  	[bflag:$0x0] =	sbarrier.arrive $0xFFFF  }
0x37: {  	s9 =	rddreg [dreg:$0x5]  }
0x38: {  	s6 =	sadd.s32 $0x0, s9  }
0x39: {  	[tilespmem:s11], [sflag:$0x5] =	stream.linear.gather [hbm4b:s6+s3], $0x800, $0x38;
	[tilespmem:$0x1D000] =	vst v63  }
0x3a: {  	_ =	swait.ge [sflag:s10], $0x800  }
0x3b: {  	s7 =	rddreg [dreg:$0x4];
	[sflag:s10] =	ssyncset.done $0x0  }
0x3c: {  	[sflag:s10] =	ssyncadd.s32 $0xFFFFF800;
	s6 =	sadd.s32 $0x0, s7  }
0x3d: {  	[tilespmem:s12], [sflag:$0x5] =	stream.linear.gather [hbm4b:s6+s3], $0x800, $0x38;
	[tilespmem:$0x1D000] =	vst v63  }
0x3e: {  	_ =	swait.ge [sflag:s10], $0x800  }
0x3f: {  	[sflag:s10] =	ssyncset.done $0x0  }
0x40: {  	[sflag:s10] =	ssyncadd.s32 $0xFFFFF800  }
0x41: {  	[tilespmem:s14], [sflag:$0x1] =	stream.indirect.gather [hbm4b:s4+s13], $0x80, s11, s13, $0xb8;
	[tilespmem:$0x1D000] =	vst v63  }
0x42: {  	s8 =	rddreg [dreg:$0x6]  }
0x43: {  	[tilespmem:s15], [sflag:$0x3] =	stream.indirect.gather [hbm4b:s4+s13], $0x80, s8, s13, $0xb8;
	[tilespmem:$0x1D000] =	vst v63  }
0x44: {  	s9 =	rddreg [dreg:$0x7]  }
0x45: {  	[tilespmem:s16], [sflag:$0x2] =	stream.indirect.gather [hbm4b:s4+s13], $0x80, s9, s13, $0xb8;
	[tilespmem:$0x1D000] =	vst v63  }
0x46: {  	s7 =	rddreg [dreg:$0x8]  }
0x47: {  	[tilespmem:s17], [sflag:$0x4] =	stream.indirect.gather [hbm4b:s4+s13], $0x80, s7, s13, $0xb8;
	[tilespmem:$0x1D000] =	vst v63  }
0x48: {  	_ =	swait.ge [sflag:s18], $0x2000  }
0x49: {  	[sflag:s18] =	ssyncset.done $0x0  }
0x4a: {  	[sflag:s18] =	ssyncadd.s32 $0xFFFFE000  }
0x4b: {  	_ =	swait.ge [sflag:s19], $0x2000  }
0x4c: {  	[sflag:s19] =	ssyncset.done $0x0  }
0x4d: {  	[sflag:s19] =	ssyncadd.s32 $0xFFFFE000  }
0x4e: {  	[spmem:s2] =	stream.indirect.scatter.add.f32 [tilespmem:s14], [sflag:$0x5], $0x80, s12, s20, $0xb8;
	[tilespmem:$0x1D000] =	vst v63  }
0x4f: {  	_ =	swait.ge [sflag:s10], $0x4000  }
0x50: {  	[sflag:s10] =	ssyncset.done $0x0  }
0x51: {  	s8 =	rddreg [dreg:$0x9];
	[sflag:s10] =	ssyncadd.s32 $0xFFFFC000  }
0x52: {  	[tilespmem:s14], [sflag:$0x1] =	stream.indirect.gather [hbm4b:s4+s13], $0x80, s8, s13, $0xb8;
	[tilespmem:$0x1D000] =	vst v63  }
0x53: {  	s9 =	rddreg [dreg:$0xa]  }
0x54: {  	[tilespmem:s15], [sflag:$0x3] =	stream.indirect.gather [hbm4b:s4+s13], $0x80, s9, s13, $0xb8;
	[tilespmem:$0x1D000] =	vst v63  }
0x55: {  	_ =	swait.ge [sflag:s21], $0x2000  }
0x56: {  	[sflag:s21] =	ssyncset.done $0x0  }
0x57: {  	[sflag:s21] =	ssyncadd.s32 $0xFFFFE000  }
0x58: {  	_ =	swait.ge [sflag:s22], $0x2000  }
0x59: {  	[sflag:s22] =	ssyncset.done $0x0  }
0x5a: {  	s7 =	rddreg [dreg:$0xb];
	[sflag:s22] =	ssyncadd.s32 $0xFFFFE000  }
0x5b: {  	[spmem:s2] =	stream.indirect.scatter.add.f32 [tilespmem:s16], [sflag:$0x5], $0x80, s7, s20, $0xb8;
	[tilespmem:$0x1D000] =	vst v63  }
0x5c: {  	_ =	swait.ge [sflag:s10], $0x4000  }
0x5d: {  	[sflag:s10] =	ssyncset.done $0x0  }
0x5e: {  	s8 =	rddreg [dreg:$0xc];
	[sflag:s10] =	ssyncadd.s32 $0xFFFFC000  }
0x5f: {  	[tilespmem:s16], [sflag:$0x2] =	stream.indirect.gather [hbm4b:s4+s13], $0x80, s8, s13, $0xb8;
	[tilespmem:$0x1D000] =	vst v63  }
0x60: {  	s9 =	rddreg [dreg:$0xd]  }
0x61: {  	[tilespmem:s17], [sflag:$0x4] =	stream.indirect.gather [hbm4b:s4+s13], $0x80, s9, s13, $0xb8;
	[tilespmem:$0x1D000] =	vst v63  }
0x62: {  	_ =	swait.ge [sflag:s18], $0x2000  }
0x63: {  	[sflag:s18] =	ssyncset.done $0x0  }
0x64: {  	[sflag:s18] =	ssyncadd.s32 $0xFFFFE000  }
0x65: {  	_ =	swait.ge [sflag:s19], $0x2000  }
0x66: {  	[sflag:s19] =	ssyncset.done $0x0  }
0x67: {  	s7 =	rddreg [dreg:$0xe];
	[sflag:s19] =	ssyncadd.s32 $0xFFFFE000  }
0x68: {  	[spmem:s2] =	stream.indirect.scatter.add.f32 [tilespmem:s14], [sflag:$0x5], $0x80, s7, s20, $0xb8;
	[tilespmem:$0x1D000] =	vst v63  }
0x69: {  	_ =	swait.ge [sflag:s10], $0x4000  }
0x6a: {  	[sflag:s10] =	ssyncset.done $0x0  }
0x6b: {  	s8 =	rddreg [dreg:$0xf];
	[sflag:s10] =	ssyncadd.s32 $0xFFFFC000  }
0x6c: {  	[tilespmem:s14], [sflag:$0x1] =	stream.indirect.gather [hbm4b:s4+s13], $0x80, s8, s13, $0xb8;
	[tilespmem:$0x1D000] =	vst v63  }
0x6d: {  	s9 =	rddreg [dreg:$0x10]  }
0x6e: {  	[tilespmem:s15], [sflag:$0x3] =	stream.indirect.gather [hbm4b:s4+s13], $0x80, s9, s13, $0xb8;
	[tilespmem:$0x1D000] =	vst v63  }
0x6f: {  	_ =	swait.ge [sflag:s21], $0x2000  }
0x70: {  	[sflag:s21] =	ssyncset.done $0x0  }
0x71: {  	[sflag:s21] =	ssyncadd.s32 $0xFFFFE000  }
0x72: {  	_ =	swait.ge [sflag:s22], $0x2000  }
0x73: {  	[sflag:s22] =	ssyncset.done $0x0  }
0x74: {  	s7 =	rddreg [dreg:$0x11];
	[sflag:s22] =	ssyncadd.s32 $0xFFFFE000  }
0x75: {  	[spmem:s2] =	stream.indirect.scatter.add.f32 [tilespmem:s16], [sflag:$0x5], $0x80, s7, s20, $0xb8;
	[tilespmem:$0x1D000] =	vst v63  }
0x76: {  	_ =	swait.ge [sflag:s10], $0x4000  }
0x77: {  	[sflag:s10] =	ssyncset.done $0x0  }
0x78: {  	s8 =	rddreg [dreg:$0x12];
	[sflag:s10] =	ssyncadd.s32 $0xFFFFC000  }
0x79: {  	[tilespmem:s16], [sflag:$0x2] =	stream.indirect.gather [hbm4b:s4+s13], $0x80, s8, s13, $0xb8;
	[tilespmem:$0x1D000] =	vst v63  }
0x7a: {  	s9 =	rddreg [dreg:$0x13]  }
0x7b: {  	[tilespmem:s17], [sflag:$0x4] =	stream.indirect.gather [hbm4b:s4+s13], $0x80, s9, s13, $0xb8;
	[tilespmem:$0x1D000] =	vst v63  }
0x7c: {  	_ =	swait.ge [sflag:s18], $0x2000  }
0x7d: {  	[sflag:s18] =	ssyncset.done $0x0  }
0x7e: {  	[sflag:s18] =	ssyncadd.s32 $0xFFFFE000  }
0x7f: {  	_ =	swait.ge [sflag:s19], $0x2000  }
0x80: {  	[sflag:s19] =	ssyncset.done $0x0  }
0x81: {  	s7 =	rddreg [dreg:$0x14];
	[sflag:s19] =	ssyncadd.s32 $0xFFFFE000  }
0x82: {  	[spmem:s2] =	stream.indirect.scatter.add.f32 [tilespmem:s14], [sflag:$0x5], $0x80, s7, s20, $0xb8;
	[tilespmem:$0x1D000] =	vst v63  }
0x83: {  	_ =	swait.ge [sflag:s10], $0x4000  }
0x84: {  	[sflag:s10] =	ssyncset.done $0x0  }
0x85: {  	s8 =	rddreg [dreg:$0x15];
	[sflag:s10] =	ssyncadd.s32 $0xFFFFC000  }
0x86: {  	[tilespmem:s14], [sflag:$0x1] =	stream.indirect.gather [hbm4b:s4+s13], $0x80, s8, s13, $0xb8;
	[tilespmem:$0x1D000] =	vst v63  }
0x87: {  	s9 =	rddreg [dreg:$0x16]  }
0x88: {  	[tilespmem:s15], [sflag:$0x3] =	stream.indirect.gather [hbm4b:s4+s13], $0x80, s9, s13, $0xb8;
	[tilespmem:$0x1D000] =	vst v63  }
0x89: {  	_ =	swait.ge [sflag:s21], $0x2000  }
0x8a: {  	[sflag:s21] =	ssyncset.done $0x0  }
0x8b: {  	[sflag:s21] =	ssyncadd.s32 $0xFFFFE000  }
0x8c: {  	_ =	swait.ge [sflag:s22], $0x2000  }
0x8d: {  	[sflag:s22] =	ssyncset.done $0x0  }
0x8e: {  	s7 =	rddreg [dreg:$0x17];
	[sflag:s22] =	ssyncadd.s32 $0xFFFFE000  }
0x8f: {  	[spmem:s2] =	stream.indirect.scatter.add.f32 [tilespmem:s16], [sflag:$0x5], $0x80, s7, s20, $0xb8;
	[tilespmem:$0x1D000] =	vst v63  }
0x90: {  	_ =	swait.ge [sflag:s10], $0x4000  }
0x91: {  	[sflag:s10] =	ssyncset.done $0x0  }
0x92: {  	s8 =	rddreg [dreg:$0x18];
	[sflag:s10] =	ssyncadd.s32 $0xFFFFC000  }
0x93: {  	[tilespmem:s16], [sflag:$0x2] =	stream.indirect.gather [hbm4b:s4+s13], $0x80, s8, s13, $0xb8;
	[tilespmem:$0x1D000] =	vst v63  }
0x94: {  	s9 =	rddreg [dreg:$0x19]  }
0x95: {  	[tilespmem:s17], [sflag:$0x4] =	stream.indirect.gather [hbm4b:s4+s13], $0x80, s9, s13, $0xb8;
	[tilespmem:$0x1D000] =	vst v63  }
0x96: {  	_ =	swait.ge [sflag:s18], $0x2000  }
0x97: {  	[sflag:s18] =	ssyncset.done $0x0  }
0x98: {  	[sflag:s18] =	ssyncadd.s32 $0xFFFFE000  }
0x99: {  	_ =	swait.ge [sflag:s19], $0x2000  }
0x9a: {  	[sflag:s19] =	ssyncset.done $0x0  }
0x9b: {  	s7 =	rddreg [dreg:$0x1a];
	[sflag:s19] =	ssyncadd.s32 $0xFFFFE000  }
0x9c: {  	[spmem:s2] =	stream.indirect.scatter.add.f32 [tilespmem:s14], [sflag:$0x5], $0x80, s7, s20, $0xb8;
	[tilespmem:$0x1D000] =	vst v63  }
0x9d: {  	_ =	swait.ge [sflag:s10], $0x4000  }
0x9e: {  	[sflag:s10] =	ssyncset.done $0x0  }
0x9f: {  	s8 =	rddreg [dreg:$0x1b];
	[sflag:s10] =	ssyncadd.s32 $0xFFFFC000  }
0xa0: {  	[tilespmem:s14], [sflag:$0x1] =	stream.indirect.gather [hbm4b:s4+s13], $0x80, s8, s13, $0xb8;
	[tilespmem:$0x1D000] =	vst v63  }
0xa1: {  	s9 =	rddreg [dreg:$0x1c]  }
0xa2: {  	[tilespmem:s15], [sflag:$0x3] =	stream.indirect.gather [hbm4b:s4+s13], $0x80, s9, s13, $0xb8;
	[tilespmem:$0x1D000] =	vst v63  }
0xa3: {  	_ =	swait.ge [sflag:s21], $0x2000  }
0xa4: {  	[sflag:s21] =	ssyncset.done $0x0  }
0xa5: {  	[sflag:s21] =	ssyncadd.s32 $0xFFFFE000  }
0xa6: {  	_ =	swait.ge [sflag:s22], $0x2000  }
0xa7: {  	[sflag:s22] =	ssyncset.done $0x0  }
0xa8: {  	s7 =	rddreg [dreg:$0x1d];
	[sflag:s22] =	ssyncadd.s32 $0xFFFFE000  }
0xa9: {  	[spmem:s2] =	stream.indirect.scatter.add.f32 [tilespmem:s16], [sflag:$0x5], $0x80, s7, s20, $0xb8;
	[tilespmem:$0x1D000] =	vst v63  }
0xaa: {  	_ =	swait.ge [sflag:s10], $0x4000  }
0xab: {  	[sflag:s10] =	ssyncset.done $0x0  }
0xac: {  	s8 =	rddreg [dreg:$0x1e];
	[sflag:s10] =	ssyncadd.s32 $0xFFFFC000  }
0xad: {  	[tilespmem:s16], [sflag:$0x2] =	stream.indirect.gather [hbm4b:s4+s13], $0x80, s8, s13, $0xb8;
	[tilespmem:$0x1D000] =	vst v63  }
0xae: {  	s9 =	rddreg [dreg:$0x1f]  }
0xaf: {  	[tilespmem:s17], [sflag:$0x4] =	stream.indirect.gather [hbm4b:s4+s13], $0x80, s9, s13, $0xb8;
	[tilespmem:$0x1D000] =	vst v63  }
0xb0: {  	_ =	swait.ge [sflag:s18], $0x2000  }
0xb1: {  	[sflag:s18] =	ssyncset.done $0x0  }
0xb2: {  	[sflag:s18] =	ssyncadd.s32 $0xFFFFE000  }
0xb3: {  	_ =	swait.ge [sflag:s19], $0x2000  }
0xb4: {  	s7 =	sld [smem:$0x7F3]  }
0xb5: {  	[sflag:s19] =	ssyncset.done $0x0  }
0xb6: {  	[sflag:s19] =	ssyncadd.s32 $0xFFFFE000  }
0xb7: {  	[spmem:s2] =	stream.indirect.scatter.add.f32 [tilespmem:s14], [sflag:$0x5], $0x80, s7, s20, $0xb8;
	[tilespmem:$0x1D000] =	vst v63  }
0xb8: {  	_ =	swait.ge [sflag:s10], $0x4000  }
0xb9: {  	s8 =	sld [smem:$0x7F4]  }
0xba: {  	[sflag:s10] =	ssyncset.done $0x0  }
0xbb: {  	s9 =	sld [smem:$0x7F5];
	[sflag:s10] =	ssyncadd.s32 $0xFFFFC000  }
0xbc: {  	[tilespmem:s14], [sflag:$0x1] =	stream.indirect.gather [hbm4b:s4+s13], $0x80, s8, s13, $0xb8;
	[tilespmem:$0x1D000] =	vst v63  }
0xbd: {  	_ = 	snop  }
0xbe: {  	[tilespmem:s15], [sflag:$0x3] =	stream.indirect.gather [hbm4b:s4+s13], $0x80, s9, s13, $0xb8;
	[tilespmem:$0x1D000] =	vst v63  }
0xbf: {  	_ =	swait.ge [sflag:s21], $0x2000  }
0xc0: {  	[sflag:s21] =	ssyncset.done $0x0  }
0xc1: {  	[sflag:s21] =	ssyncadd.s32 $0xFFFFE000  }
0xc2: {  	_ =	swait.ge [sflag:s22], $0x2000  }
0xc3: {  	s7 =	sld [smem:$0x7F6]  }
0xc4: {  	[sflag:s22] =	ssyncset.done $0x0  }
0xc5: {  	[sflag:s22] =	ssyncadd.s32 $0xFFFFE000  }
0xc6: {  	[spmem:s2] =	stream.indirect.scatter.add.f32 [tilespmem:s16], [sflag:$0x5], $0x80, s7, s20, $0xb8;
	[tilespmem:$0x1D000] =	vst v63  }
0xc7: {  	_ =	swait.ge [sflag:s10], $0x4000  }
0xc8: {  	s8 =	sld [smem:$0x7F7]  }
0xc9: {  	[sflag:s10] =	ssyncset.done $0x0  }
0xca: {  	s9 =	sld [smem:$0x7F8];
	[sflag:s10] =	ssyncadd.s32 $0xFFFFC000  }
0xcb: {  	[tilespmem:s16], [sflag:$0x2] =	stream.indirect.gather [hbm4b:s4+s13], $0x80, s8, s13, $0xb8;
	[tilespmem:$0x1D000] =	vst v63  }
0xcc: {  	_ = 	snop  }
0xcd: {  	[tilespmem:s17], [sflag:$0x4] =	stream.indirect.gather [hbm4b:s4+s13], $0x80, s9, s13, $0xb8;
	[tilespmem:$0x1D000] =	vst v63  }
0xce: {  	_ =	swait.ge [sflag:s18], $0x2000  }
0xcf: {  	[sflag:s18] =	ssyncset.done $0x0  }
0xd0: {  	[sflag:s18] =	ssyncadd.s32 $0xFFFFE000  }
0xd1: {  	_ =	swait.ge [sflag:s19], $0x2000  }
0xd2: {  	s7 =	sld [smem:$0x7F9]  }
0xd3: {  	[sflag:s19] =	ssyncset.done $0x0  }
0xd4: {  	[sflag:s19] =	ssyncadd.s32 $0xFFFFE000  }
0xd5: {  	[spmem:s2] =	stream.indirect.scatter.add.f32 [tilespmem:s14], [sflag:$0x5], $0x80, s7, s20, $0xb8;
	[tilespmem:$0x1D000] =	vst v63  }
0xd6: {  	_ =	swait.ge [sflag:s10], $0x4000  }
0xd7: {  	s8 =	sld [smem:$0x7FA]  }
0xd8: {  	[sflag:s10] =	ssyncset.done $0x0  }
0xd9: {  	s9 =	sld [smem:$0x7FB];
	[sflag:s10] =	ssyncadd.s32 $0xFFFFC000  }
0xda: {  	[tilespmem:s14], [sflag:$0x1] =	stream.indirect.gather [hbm4b:s4+s13], $0x80, s8, s13, $0xb8;
	[tilespmem:$0x1D000] =	vst v63  }
0xdb: {  	_ = 	snop  }
0xdc: {  	[tilespmem:s15], [sflag:$0x3] =	stream.indirect.gather [hbm4b:s4+s13], $0x80, s9, s13, $0xb8;
	[tilespmem:$0x1D000] =	vst v63  }
0xdd: {  	_ =	swait.ge [sflag:s21], $0x2000  }
0xde: {  	[sflag:s21] =	ssyncset.done $0x0  }
0xdf: {  	[sflag:s21] =	ssyncadd.s32 $0xFFFFE000  }
0xe0: {  	_ =	swait.ge [sflag:s22], $0x2000  }
0xe1: {  	[sflag:s22] =	ssyncset.done $0x0  }
0xe2: {  	[sflag:s22] =	ssyncadd.s32 $0xFFFFE000  }
0xe3: {  	[spmem:s2] =	stream.indirect.scatter.add.f32 [tilespmem:s16], [sflag:$0x5], $0x80, s23, s20, $0xb8;
	[tilespmem:$0x1D000] =	vst v63  }
0xe4: {  	_ =	swait.ge [sflag:s10], $0x4000  }
0xe5: {  	[sflag:s10] =	ssyncset.done $0x0  }
0xe6: {  	[sflag:s10] =	ssyncadd.s32 $0xFFFFC000  }
0xe7: {  	[tilespmem:s16], [sflag:$0x2] =	stream.indirect.gather [hbm4b:s4+s13], $0x80, s24, s13, $0xb8;
	[tilespmem:$0x1D000] =	vst v63  }
0xe8: {  	_ = 	snop  }
0xe9: {  	[tilespmem:s17], [sflag:$0x4] =	stream.indirect.gather [hbm4b:s4+s13], $0x80, s25, s13, $0xb8;
	[tilespmem:$0x1D000] =	vst v63  }
0xea: {  	_ =	swait.ge [sflag:s18], $0x2000  }
0xeb: {  	[sflag:s18] =	ssyncset.done $0x0  }
0xec: {  	[sflag:s18] =	ssyncadd.s32 $0xFFFFE000  }
0xed: {  	_ =	swait.ge [sflag:s19], $0x2000  }
0xee: {  	[sflag:s19] =	ssyncset.done $0x0  }
0xef: {  	[sflag:s19] =	ssyncadd.s32 $0xFFFFE000  }
0xf0: {  	[spmem:s2] =	stream.indirect.scatter.add.f32 [tilespmem:s14], [sflag:$0x5], $0x80, s26, s20, $0xb8;
	[tilespmem:$0x1D000] =	vst v63  }
0xf1: {  	_ =	swait.ge [sflag:s10], $0x4000  }
0xf2: {  	[sflag:s10] =	ssyncset.done $0x0  }
0xf3: {  	[sflag:s10] =	ssyncadd.s32 $0xFFFFC000  }
0xf4: {  	[tilespmem:s14], [sflag:$0x1] =	stream.indirect.gather [hbm4b:s4+s13], $0x80, s28, s13, $0xb8;
	[tilespmem:$0x1D000] =	vst v63  }
0xf5: {  	_ = 	snop  }
0xf6: {  	[tilespmem:s15], [sflag:$0x3] =	stream.indirect.gather [hbm4b:s4+s13], $0x80, s29, s13, $0xb8;
	[tilespmem:$0x1D000] =	vst v63  }
0xf7: {  	_ =	swait.ge [sflag:s21], $0x2000  }
0xf8: {  	[sflag:s21] =	ssyncset.done $0x0  }
0xf9: {  	[sflag:s21] =	ssyncadd.s32 $0xFFFFE000  }
0xfa: {  	_ =	swait.ge [sflag:s22], $0x2000  }
0xfb: {  	[sflag:s22] =	ssyncset.done $0x0  }
0xfc: {  	[sflag:s22] =	ssyncadd.s32 $0xFFFFE000  }
0xfd: {  	[spmem:s2] =	stream.indirect.scatter.add.f32 [tilespmem:s16], [sflag:$0x5], $0x80, s30, s20, $0xb8;
	[tilespmem:$0x1D000] =	vst v63  }
0xfe: {  	_ =	swait.ge [sflag:s10], $0x4000  }
0xff: {  	[sflag:s10] =	ssyncset.done $0x0  }
0x100: {  	[sflag:s10] =	ssyncadd.s32 $0xFFFFC000  }
0x101: {  	[tilespmem:s16], [sflag:$0x2] =	stream.indirect.gather [hbm4b:s4+s13], $0x80, s31, s13, $0xb8;
	[tilespmem:$0x1D000] =	vst v63  }
0x102: {  	_ = 	snop  }
0x103: {  	[tilespmem:s17], [sflag:$0x4] =	stream.indirect.gather [hbm4b:s4+s13], $0x80, s1, s13, $0xb8;
	[tilespmem:$0x1D000] =	vst v63  }
0x104: {  	_ =	swait.ge [sflag:s18], $0x2000  }
0x105: {  	[sflag:s18] =	ssyncset.done $0x0  }
0x106: {  	[sflag:s18] =	ssyncadd.s32 $0xFFFFE000  }
0x107: {  	_ =	swait.ge [sflag:s19], $0x2000  }
0x108: {  	[sflag:s19] =	ssyncset.done $0x0  }
0x109: {  	[sflag:s19] =	ssyncadd.s32 $0xFFFFE000  }
0x10a: {  	[spmem:s2] =	stream.indirect.scatter.add.f32 [tilespmem:s14], [sflag:$0x5], $0x80, s0, s20, $0xb8;
	[tilespmem:$0x1D000] =	vst v63  }
0x10b: {  	_ =	swait.ge [sflag:s10], $0x4000  }
0x10c: {  	[sflag:s10] =	ssyncset.done $0x0  }
0x10d: {  	[sflag:s10] =	ssyncadd.s32 $0xFFFFC000  }
0x10e: {  	_ =	swait.ge [sflag:s21], $0x2000  }
0x10f: {  	[sflag:s21] =	ssyncset.done $0x0  }
0x110: {  	[sflag:s21] =	ssyncadd.s32 $0xFFFFE000  }
0x111: {  	_ =	swait.ge [sflag:s22], $0x2000  }
0x112: {  	[sflag:s22] =	ssyncset.done $0x0  }
0x113: {  	[sflag:s22] =	ssyncadd.s32 $0xFFFFE000  }
0x114: {  	[spmem:s2] =	stream.indirect.scatter.add.f32 [tilespmem:s16], [sflag:$0x5], $0x80, s5, s20, $0xb8;
	[tilespmem:$0x1D000] =	vst v63  }
0x115: {  	s6 =	simm.s32 $0x200;
	_ =	swait.ge [sflag:s10], $0x4000  }
0x116: {  	s8 =	simm.s32 $0x100;
	s9 =	rddreg [dreg:$0x5];
	[sflag:s10] =	ssyncset.done $0x0  }
.LBB2_2:
0x117: {  	[sflag:s10] =	ssyncadd.s32 $0xFFFFC000;
	s9 =	sadd.s32 s8, s9  }
0x118: {  	[tilespmem:s11], [sflag:$0x5] =	stream.linear.gather [hbm4b:s9+s3], $0x800, $0x38;
	[tilespmem:$0x1D000] =	vst v63  }
0x119: {  	_ =	swait.ge [sflag:s10], $0x800  }
0x11a: {  	s9 =	rddreg [dreg:$0x4];
	[sflag:s10] =	ssyncset.done $0x0  }
0x11b: {  	[sflag:s10] =	ssyncadd.s32 $0xFFFFF800;
	s9 =	sadd.s32 s8, s9  }
0x11c: {  	[tilespmem:s12], [sflag:$0x5] =	stream.linear.gather [hbm4b:s9+s3], $0x800, $0x38;
	[tilespmem:$0x1D000] =	vst v63  }
0x11d: {  	_ =	swait.ge [sflag:s10], $0x800  }
0x11e: {  	[sflag:s10] =	ssyncset.done $0x0  }
0x11f: {  	s7 =	smov.u32 s6;
	[sflag:s10] =	ssyncadd.s32 $0xFFFFF800  }
0x120: {  	[tilespmem:s14], [sflag:$0x1] =	stream.indirect.gather [hbm4b:s4+s13], $0x80, s11, s13, $0xb8;
	[tilespmem:$0x1D000] =	vst v63  }
0x121: {  	s8 =	smov.u32 s7;
	s7 =	rddreg [dreg:$0x6]  }
0x122: {  	[tilespmem:s15], [sflag:$0x3] =	stream.indirect.gather [hbm4b:s4+s13], $0x80, s7, s13, $0xb8;
	[tilespmem:$0x1D000] =	vst v63  }
0x123: {  	s9 =	rddreg [dreg:$0x7]  }
0x124: {  	[tilespmem:s16], [sflag:$0x2] =	stream.indirect.gather [hbm4b:s4+s13], $0x80, s9, s13, $0xb8;
	[tilespmem:$0x1D000] =	vst v63  }
0x125: {  	s7 =	rddreg [dreg:$0x8]  }
0x126: {  	[tilespmem:s17], [sflag:$0x4] =	stream.indirect.gather [hbm4b:s4+s13], $0x80, s7, s13, $0xb8;
	[tilespmem:$0x1D000] =	vst v63  }
0x127: {  	_ =	swait.ge [sflag:s18], $0x2000  }
0x128: {  	[sflag:s18] =	ssyncset.done $0x0  }
0x129: {  	[sflag:s18] =	ssyncadd.s32 $0xFFFFE000  }
0x12a: {  	_ =	swait.ge [sflag:s19], $0x2000  }
0x12b: {  	[sflag:s19] =	ssyncset.done $0x0  }
0x12c: {  	[sflag:s19] =	ssyncadd.s32 $0xFFFFE000  }
0x12d: {  	[spmem:s2] =	stream.indirect.scatter.add.f32 [tilespmem:s14], [sflag:$0x5], $0x80, s12, s20, $0xb8;
	[tilespmem:$0x1D000] =	vst v63  }
0x12e: {  	_ =	swait.ge [sflag:s10], $0x4000  }
0x12f: {  	[sflag:s10] =	ssyncset.done $0x0  }
0x130: {  	s7 =	rddreg [dreg:$0x9];
	[sflag:s10] =	ssyncadd.s32 $0xFFFFC000  }
0x131: {  	[tilespmem:s14], [sflag:$0x1] =	stream.indirect.gather [hbm4b:s4+s13], $0x80, s7, s13, $0xb8;
	[tilespmem:$0x1D000] =	vst v63  }
0x132: {  	s9 =	rddreg [dreg:$0xa]  }
0x133: {  	[tilespmem:s15], [sflag:$0x3] =	stream.indirect.gather [hbm4b:s4+s13], $0x80, s9, s13, $0xb8;
	[tilespmem:$0x1D000] =	vst v63  }
0x134: {  	_ =	swait.ge [sflag:s21], $0x2000  }
0x135: {  	[sflag:s21] =	ssyncset.done $0x0  }
0x136: {  	[sflag:s21] =	ssyncadd.s32 $0xFFFFE000  }
0x137: {  	_ =	swait.ge [sflag:s22], $0x2000  }
0x138: {  	[sflag:s22] =	ssyncset.done $0x0  }
0x139: {  	s9 =	rddreg [dreg:$0xb];
	[sflag:s22] =	ssyncadd.s32 $0xFFFFE000  }
0x13a: {  	[spmem:s2] =	stream.indirect.scatter.add.f32 [tilespmem:s16], [sflag:$0x5], $0x80, s9, s20, $0xb8;
	[tilespmem:$0x1D000] =	vst v63  }
0x13b: {  	_ =	swait.ge [sflag:s10], $0x4000  }
0x13c: {  	[sflag:s10] =	ssyncset.done $0x0  }
0x13d: {  	s7 =	rddreg [dreg:$0xc];
	[sflag:s10] =	ssyncadd.s32 $0xFFFFC000  }
0x13e: {  	[tilespmem:s16], [sflag:$0x2] =	stream.indirect.gather [hbm4b:s4+s13], $0x80, s7, s13, $0xb8;
	[tilespmem:$0x1D000] =	vst v63  }
0x13f: {  	s9 =	rddreg [dreg:$0xd]  }
0x140: {  	[tilespmem:s17], [sflag:$0x4] =	stream.indirect.gather [hbm4b:s4+s13], $0x80, s9, s13, $0xb8;
	[tilespmem:$0x1D000] =	vst v63  }
0x141: {  	_ =	swait.ge [sflag:s18], $0x2000  }
0x142: {  	[sflag:s18] =	ssyncset.done $0x0  }
0x143: {  	[sflag:s18] =	ssyncadd.s32 $0xFFFFE000  }
0x144: {  	_ =	swait.ge [sflag:s19], $0x2000  }
0x145: {  	[sflag:s19] =	ssyncset.done $0x0  }
0x146: {  	s9 =	rddreg [dreg:$0xe];
	[sflag:s19] =	ssyncadd.s32 $0xFFFFE000  }
0x147: {  	[spmem:s2] =	stream.indirect.scatter.add.f32 [tilespmem:s14], [sflag:$0x5], $0x80, s9, s20, $0xb8;
	[tilespmem:$0x1D000] =	vst v63  }
0x148: {  	_ =	swait.ge [sflag:s10], $0x4000  }
0x149: {  	[sflag:s10] =	ssyncset.done $0x0  }
0x14a: {  	s7 =	rddreg [dreg:$0xf];
	[sflag:s10] =	ssyncadd.s32 $0xFFFFC000  }
0x14b: {  	[tilespmem:s14], [sflag:$0x1] =	stream.indirect.gather [hbm4b:s4+s13], $0x80, s7, s13, $0xb8;
	[tilespmem:$0x1D000] =	vst v63  }
0x14c: {  	s9 =	rddreg [dreg:$0x10]  }
0x14d: {  	[tilespmem:s15], [sflag:$0x3] =	stream.indirect.gather [hbm4b:s4+s13], $0x80, s9, s13, $0xb8;
	[tilespmem:$0x1D000] =	vst v63  }
0x14e: {  	_ =	swait.ge [sflag:s21], $0x2000  }
0x14f: {  	[sflag:s21] =	ssyncset.done $0x0  }
0x150: {  	[sflag:s21] =	ssyncadd.s32 $0xFFFFE000  }
0x151: {  	_ =	swait.ge [sflag:s22], $0x2000  }
0x152: {  	[sflag:s22] =	ssyncset.done $0x0  }
0x153: {  	s9 =	rddreg [dreg:$0x11];
	[sflag:s22] =	ssyncadd.s32 $0xFFFFE000  }
0x154: {  	[spmem:s2] =	stream.indirect.scatter.add.f32 [tilespmem:s16], [sflag:$0x5], $0x80, s9, s20, $0xb8;
	[tilespmem:$0x1D000] =	vst v63  }
0x155: {  	_ =	swait.ge [sflag:s10], $0x4000  }
0x156: {  	[sflag:s10] =	ssyncset.done $0x0  }
0x157: {  	s7 =	rddreg [dreg:$0x12];
	[sflag:s10] =	ssyncadd.s32 $0xFFFFC000  }
0x158: {  	[tilespmem:s16], [sflag:$0x2] =	stream.indirect.gather [hbm4b:s4+s13], $0x80, s7, s13, $0xb8;
	[tilespmem:$0x1D000] =	vst v63  }
0x159: {  	s9 =	rddreg [dreg:$0x13]  }
0x15a: {  	[tilespmem:s17], [sflag:$0x4] =	stream.indirect.gather [hbm4b:s4+s13], $0x80, s9, s13, $0xb8;
	[tilespmem:$0x1D000] =	vst v63  }
0x15b: {  	_ =	swait.ge [sflag:s18], $0x2000  }
0x15c: {  	[sflag:s18] =	ssyncset.done $0x0  }
0x15d: {  	[sflag:s18] =	ssyncadd.s32 $0xFFFFE000  }
0x15e: {  	_ =	swait.ge [sflag:s19], $0x2000  }
0x15f: {  	[sflag:s19] =	ssyncset.done $0x0  }
0x160: {  	s9 =	rddreg [dreg:$0x14];
	[sflag:s19] =	ssyncadd.s32 $0xFFFFE000  }
0x161: {  	[spmem:s2] =	stream.indirect.scatter.add.f32 [tilespmem:s14], [sflag:$0x5], $0x80, s9, s20, $0xb8;
	[tilespmem:$0x1D000] =	vst v63  }
0x162: {  	_ =	swait.ge [sflag:s10], $0x4000  }
0x163: {  	[sflag:s10] =	ssyncset.done $0x0  }
0x164: {  	s7 =	rddreg [dreg:$0x15];
	[sflag:s10] =	ssyncadd.s32 $0xFFFFC000  }
0x165: {  	[tilespmem:s14], [sflag:$0x1] =	stream.indirect.gather [hbm4b:s4+s13], $0x80, s7, s13, $0xb8;
	[tilespmem:$0x1D000] =	vst v63  }
0x166: {  	s9 =	rddreg [dreg:$0x16]  }
0x167: {  	[tilespmem:s15], [sflag:$0x3] =	stream.indirect.gather [hbm4b:s4+s13], $0x80, s9, s13, $0xb8;
	[tilespmem:$0x1D000] =	vst v63  }
0x168: {  	_ =	swait.ge [sflag:s21], $0x2000  }
0x169: {  	[sflag:s21] =	ssyncset.done $0x0  }
0x16a: {  	[sflag:s21] =	ssyncadd.s32 $0xFFFFE000  }
0x16b: {  	_ =	swait.ge [sflag:s22], $0x2000  }
0x16c: {  	[sflag:s22] =	ssyncset.done $0x0  }
0x16d: {  	s9 =	rddreg [dreg:$0x17];
	[sflag:s22] =	ssyncadd.s32 $0xFFFFE000  }
0x16e: {  	[spmem:s2] =	stream.indirect.scatter.add.f32 [tilespmem:s16], [sflag:$0x5], $0x80, s9, s20, $0xb8;
	[tilespmem:$0x1D000] =	vst v63  }
0x16f: {  	_ =	swait.ge [sflag:s10], $0x4000  }
0x170: {  	[sflag:s10] =	ssyncset.done $0x0  }
0x171: {  	s7 =	rddreg [dreg:$0x18];
	[sflag:s10] =	ssyncadd.s32 $0xFFFFC000  }
0x172: {  	[tilespmem:s16], [sflag:$0x2] =	stream.indirect.gather [hbm4b:s4+s13], $0x80, s7, s13, $0xb8;
	[tilespmem:$0x1D000] =	vst v63  }
0x173: {  	s9 =	rddreg [dreg:$0x19]  }
0x174: {  	[tilespmem:s17], [sflag:$0x4] =	stream.indirect.gather [hbm4b:s4+s13], $0x80, s9, s13, $0xb8;
	[tilespmem:$0x1D000] =	vst v63  }
0x175: {  	_ =	swait.ge [sflag:s18], $0x2000  }
0x176: {  	[sflag:s18] =	ssyncset.done $0x0  }
0x177: {  	[sflag:s18] =	ssyncadd.s32 $0xFFFFE000  }
0x178: {  	_ =	swait.ge [sflag:s19], $0x2000  }
0x179: {  	[sflag:s19] =	ssyncset.done $0x0  }
0x17a: {  	s9 =	rddreg [dreg:$0x1a];
	[sflag:s19] =	ssyncadd.s32 $0xFFFFE000  }
0x17b: {  	[spmem:s2] =	stream.indirect.scatter.add.f32 [tilespmem:s14], [sflag:$0x5], $0x80, s9, s20, $0xb8;
	[tilespmem:$0x1D000] =	vst v63  }
0x17c: {  	_ =	swait.ge [sflag:s10], $0x4000  }
0x17d: {  	[sflag:s10] =	ssyncset.done $0x0  }
0x17e: {  	s7 =	rddreg [dreg:$0x1b];
	[sflag:s10] =	ssyncadd.s32 $0xFFFFC000  }
0x17f: {  	[tilespmem:s14], [sflag:$0x1] =	stream.indirect.gather [hbm4b:s4+s13], $0x80, s7, s13, $0xb8;
	[tilespmem:$0x1D000] =	vst v63  }
0x180: {  	s9 =	rddreg [dreg:$0x1c]  }
0x181: {  	[tilespmem:s15], [sflag:$0x3] =	stream.indirect.gather [hbm4b:s4+s13], $0x80, s9, s13, $0xb8;
	[tilespmem:$0x1D000] =	vst v63  }
0x182: {  	_ =	swait.ge [sflag:s21], $0x2000  }
0x183: {  	[sflag:s21] =	ssyncset.done $0x0  }
0x184: {  	[sflag:s21] =	ssyncadd.s32 $0xFFFFE000  }
0x185: {  	_ =	swait.ge [sflag:s22], $0x2000  }
0x186: {  	[sflag:s22] =	ssyncset.done $0x0  }
0x187: {  	s9 =	rddreg [dreg:$0x1d];
	[sflag:s22] =	ssyncadd.s32 $0xFFFFE000  }
0x188: {  	[spmem:s2] =	stream.indirect.scatter.add.f32 [tilespmem:s16], [sflag:$0x5], $0x80, s9, s20, $0xb8;
	[tilespmem:$0x1D000] =	vst v63  }
0x189: {  	_ =	swait.ge [sflag:s10], $0x4000  }
0x18a: {  	[sflag:s10] =	ssyncset.done $0x0  }
0x18b: {  	s7 =	rddreg [dreg:$0x1e];
	[sflag:s10] =	ssyncadd.s32 $0xFFFFC000  }
0x18c: {  	[tilespmem:s16], [sflag:$0x2] =	stream.indirect.gather [hbm4b:s4+s13], $0x80, s7, s13, $0xb8;
	[tilespmem:$0x1D000] =	vst v63  }
0x18d: {  	s9 =	rddreg [dreg:$0x1f]  }
0x18e: {  	[tilespmem:s17], [sflag:$0x4] =	stream.indirect.gather [hbm4b:s4+s13], $0x80, s9, s13, $0xb8;
	[tilespmem:$0x1D000] =	vst v63  }
0x18f: {  	_ =	swait.ge [sflag:s18], $0x2000  }
0x190: {  	[sflag:s18] =	ssyncset.done $0x0  }
0x191: {  	[sflag:s18] =	ssyncadd.s32 $0xFFFFE000  }
0x192: {  	_ =	swait.ge [sflag:s19], $0x2000  }
0x193: {  	s9 =	sld [smem:$0x7F3]  }
0x194: {  	[sflag:s19] =	ssyncset.done $0x0  }
0x195: {  	[sflag:s19] =	ssyncadd.s32 $0xFFFFE000  }
0x196: {  	[spmem:s2] =	stream.indirect.scatter.add.f32 [tilespmem:s14], [sflag:$0x5], $0x80, s9, s20, $0xb8;
	[tilespmem:$0x1D000] =	vst v63  }
0x197: {  	_ =	swait.ge [sflag:s10], $0x4000  }
0x198: {  	s7 =	sld [smem:$0x7F4]  }
0x199: {  	[sflag:s10] =	ssyncset.done $0x0  }
0x19a: {  	s9 =	sld [smem:$0x7F5];
	[sflag:s10] =	ssyncadd.s32 $0xFFFFC000  }
0x19b: {  	[tilespmem:s14], [sflag:$0x1] =	stream.indirect.gather [hbm4b:s4+s13], $0x80, s7, s13, $0xb8;
	[tilespmem:$0x1D000] =	vst v63  }
0x19c: {  	_ = 	snop  }
0x19d: {  	[tilespmem:s15], [sflag:$0x3] =	stream.indirect.gather [hbm4b:s4+s13], $0x80, s9, s13, $0xb8;
	[tilespmem:$0x1D000] =	vst v63  }
0x19e: {  	_ =	swait.ge [sflag:s21], $0x2000  }
0x19f: {  	[sflag:s21] =	ssyncset.done $0x0  }
0x1a0: {  	[sflag:s21] =	ssyncadd.s32 $0xFFFFE000  }
0x1a1: {  	_ =	swait.ge [sflag:s22], $0x2000  }
0x1a2: {  	s9 =	sld [smem:$0x7F6]  }
0x1a3: {  	[sflag:s22] =	ssyncset.done $0x0  }
0x1a4: {  	[sflag:s22] =	ssyncadd.s32 $0xFFFFE000  }
0x1a5: {  	[spmem:s2] =	stream.indirect.scatter.add.f32 [tilespmem:s16], [sflag:$0x5], $0x80, s9, s20, $0xb8;
	[tilespmem:$0x1D000] =	vst v63  }
0x1a6: {  	_ =	swait.ge [sflag:s10], $0x4000  }
0x1a7: {  	s7 =	sld [smem:$0x7F7]  }
0x1a8: {  	[sflag:s10] =	ssyncset.done $0x0  }
0x1a9: {  	s9 =	sld [smem:$0x7F8];
	[sflag:s10] =	ssyncadd.s32 $0xFFFFC000  }
0x1aa: {  	[tilespmem:s16], [sflag:$0x2] =	stream.indirect.gather [hbm4b:s4+s13], $0x80, s7, s13, $0xb8;
	[tilespmem:$0x1D000] =	vst v63  }
0x1ab: {  	_ = 	snop  }
0x1ac: {  	[tilespmem:s17], [sflag:$0x4] =	stream.indirect.gather [hbm4b:s4+s13], $0x80, s9, s13, $0xb8;
	[tilespmem:$0x1D000] =	vst v63  }
0x1ad: {  	_ =	swait.ge [sflag:s18], $0x2000  }
0x1ae: {  	[sflag:s18] =	ssyncset.done $0x0  }
0x1af: {  	[sflag:s18] =	ssyncadd.s32 $0xFFFFE000  }
0x1b0: {  	_ =	swait.ge [sflag:s19], $0x2000  }
0x1b1: {  	s9 =	sld [smem:$0x7F9]  }
0x1b2: {  	[sflag:s19] =	ssyncset.done $0x0  }
0x1b3: {  	[sflag:s19] =	ssyncadd.s32 $0xFFFFE000  }
0x1b4: {  	[spmem:s2] =	stream.indirect.scatter.add.f32 [tilespmem:s14], [sflag:$0x5], $0x80, s9, s20, $0xb8;
	[tilespmem:$0x1D000] =	vst v63  }
0x1b5: {  	_ =	swait.ge [sflag:s10], $0x4000  }
0x1b6: {  	s7 =	sld [smem:$0x7FA]  }
0x1b7: {  	[sflag:s10] =	ssyncset.done $0x0  }
0x1b8: {  	s9 =	sld [smem:$0x7FB];
	[sflag:s10] =	ssyncadd.s32 $0xFFFFC000  }
0x1b9: {  	[tilespmem:s14], [sflag:$0x1] =	stream.indirect.gather [hbm4b:s4+s13], $0x80, s7, s13, $0xb8;
	[tilespmem:$0x1D000] =	vst v63  }
0x1ba: {  	_ = 	snop  }
0x1bb: {  	[tilespmem:s15], [sflag:$0x3] =	stream.indirect.gather [hbm4b:s4+s13], $0x80, s9, s13, $0xb8;
	[tilespmem:$0x1D000] =	vst v63  }
0x1bc: {  	_ =	swait.ge [sflag:s21], $0x2000  }
0x1bd: {  	[sflag:s21] =	ssyncset.done $0x0  }
0x1be: {  	[sflag:s21] =	ssyncadd.s32 $0xFFFFE000  }
0x1bf: {  	_ =	swait.ge [sflag:s22], $0x2000  }
0x1c0: {  	[sflag:s22] =	ssyncset.done $0x0  }
0x1c1: {  	[sflag:s22] =	ssyncadd.s32 $0xFFFFE000  }
0x1c2: {  	[spmem:s2] =	stream.indirect.scatter.add.f32 [tilespmem:s16], [sflag:$0x5], $0x80, s23, s20, $0xb8;
	[tilespmem:$0x1D000] =	vst v63  }
0x1c3: {  	_ =	swait.ge [sflag:s10], $0x4000  }
0x1c4: {  	[sflag:s10] =	ssyncset.done $0x0  }
0x1c5: {  	[sflag:s10] =	ssyncadd.s32 $0xFFFFC000  }
0x1c6: {  	[tilespmem:s16], [sflag:$0x2] =	stream.indirect.gather [hbm4b:s4+s13], $0x80, s24, s13, $0xb8;
	[tilespmem:$0x1D000] =	vst v63  }
0x1c7: {  	_ = 	snop  }
0x1c8: {  	[tilespmem:s17], [sflag:$0x4] =	stream.indirect.gather [hbm4b:s4+s13], $0x80, s25, s13, $0xb8;
	[tilespmem:$0x1D000] =	vst v63  }
0x1c9: {  	_ =	swait.ge [sflag:s18], $0x2000  }
0x1ca: {  	[sflag:s18] =	ssyncset.done $0x0  }
0x1cb: {  	[sflag:s18] =	ssyncadd.s32 $0xFFFFE000  }
0x1cc: {  	_ =	swait.ge [sflag:s19], $0x2000  }
0x1cd: {  	[sflag:s19] =	ssyncset.done $0x0  }
0x1ce: {  	[sflag:s19] =	ssyncadd.s32 $0xFFFFE000  }
0x1cf: {  	[spmem:s2] =	stream.indirect.scatter.add.f32 [tilespmem:s14], [sflag:$0x5], $0x80, s26, s20, $0xb8;
	[tilespmem:$0x1D000] =	vst v63  }
0x1d0: {  	_ =	swait.ge [sflag:s10], $0x4000  }
0x1d1: {  	[sflag:s10] =	ssyncset.done $0x0  }
0x1d2: {  	[sflag:s10] =	ssyncadd.s32 $0xFFFFC000  }
0x1d3: {  	[tilespmem:s14], [sflag:$0x1] =	stream.indirect.gather [hbm4b:s4+s13], $0x80, s28, s13, $0xb8;
	[tilespmem:$0x1D000] =	vst v63  }
0x1d4: {  	_ = 	snop  }
0x1d5: {  	[tilespmem:s15], [sflag:$0x3] =	stream.indirect.gather [hbm4b:s4+s13], $0x80, s29, s13, $0xb8;
	[tilespmem:$0x1D000] =	vst v63  }
0x1d6: {  	_ =	swait.ge [sflag:s21], $0x2000  }
0x1d7: {  	[sflag:s21] =	ssyncset.done $0x0  }
0x1d8: {  	[sflag:s21] =	ssyncadd.s32 $0xFFFFE000  }
0x1d9: {  	_ =	swait.ge [sflag:s22], $0x2000  }
0x1da: {  	[sflag:s22] =	ssyncset.done $0x0  }
0x1db: {  	[sflag:s22] =	ssyncadd.s32 $0xFFFFE000  }
0x1dc: {  	[spmem:s2] =	stream.indirect.scatter.add.f32 [tilespmem:s16], [sflag:$0x5], $0x80, s30, s20, $0xb8;
	[tilespmem:$0x1D000] =	vst v63  }
0x1dd: {  	_ =	swait.ge [sflag:s10], $0x4000  }
0x1de: {  	[sflag:s10] =	ssyncset.done $0x0  }
0x1df: {  	[sflag:s10] =	ssyncadd.s32 $0xFFFFC000  }
0x1e0: {  	[tilespmem:s16], [sflag:$0x2] =	stream.indirect.gather [hbm4b:s4+s13], $0x80, s31, s13, $0xb8;
	[tilespmem:$0x1D000] =	vst v63  }
0x1e1: {  	_ = 	snop  }
0x1e2: {  	[tilespmem:s17], [sflag:$0x4] =	stream.indirect.gather [hbm4b:s4+s13], $0x80, s1, s13, $0xb8;
	[tilespmem:$0x1D000] =	vst v63  }
0x1e3: {  	_ =	swait.ge [sflag:s18], $0x2000  }
0x1e4: {  	[sflag:s18] =	ssyncset.done $0x0  }
0x1e5: {  	[sflag:s18] =	ssyncadd.s32 $0xFFFFE000  }
0x1e6: {  	_ =	swait.ge [sflag:s19], $0x2000  }
0x1e7: {  	[sflag:s19] =	ssyncset.done $0x0  }
0x1e8: {  	[sflag:s19] =	ssyncadd.s32 $0xFFFFE000  }
0x1e9: {  	[spmem:s2] =	stream.indirect.scatter.add.f32 [tilespmem:s14], [sflag:$0x5], $0x80, s0, s20, $0xb8;
	[tilespmem:$0x1D000] =	vst v63  }
0x1ea: {  	_ =	swait.ge [sflag:s10], $0x4000  }
0x1eb: {  	[sflag:s10] =	ssyncset.done $0x0  }
0x1ec: {  	[sflag:s10] =	ssyncadd.s32 $0xFFFFC000  }
0x1ed: {  	_ =	swait.ge [sflag:s21], $0x2000  }
0x1ee: {  	[sflag:s21] =	ssyncset.done $0x0  }
0x1ef: {  	[sflag:s21] =	ssyncadd.s32 $0xFFFFE000  }
0x1f0: {  	p0 =	sne.s32 s6, $0x400;
	_ =	swait.ge [sflag:s22], $0x2000  }
.Ltmp0:
0x1f1: {  	[sflag:s22] =	ssyncset.done $0x0;
	(pc) =	sbr.rel @p0 .LBB2_2-.Ltmp0, $4  }
0x1f2: {  	[sflag:s22] =	ssyncadd.s32 $0xFFFFE000  }
0x1f3: {  	[spmem:s2] =	stream.indirect.scatter.add.f32 [tilespmem:s16], [sflag:$0x5], $0x80, s5, s20, $0xb8;
	[tilespmem:$0x1D000] =	vst v63  }
0x1f4: {  	_ =	swait.ge [sflag:s10], $0x4000  }
0x1f5: {  	s6 =	sadd.s32 $0x100, s6;
	s9 =	rddreg [dreg:$0x5];
	[sflag:s10] =	ssyncset.done $0x0  }
0x1f6: {  	[sflag:s10] =	ssyncadd.s32 $0xFFFFC000;
	s6 =	sadd.s32 s8, s9  }
0x1f7: {  	[tilespmem:s11], [sflag:$0x5] =	stream.linear.gather [hbm4b:s6+s3], $0x800, $0x38;
	[tilespmem:$0x1D000] =	vst v63  }
0x1f8: {  	_ =	swait.ge [sflag:s10], $0x800  }
0x1f9: {  	s7 =	rddreg [dreg:$0x4];
	[sflag:s10] =	ssyncset.done $0x0  }
0x1fa: {  	[sflag:s10] =	ssyncadd.s32 $0xFFFFF800;
	s6 =	sadd.s32 s8, s7  }
0x1fb: {  	[tilespmem:s12], [sflag:$0x5] =	stream.linear.gather [hbm4b:s6+s3], $0x800, $0x38;
	[tilespmem:$0x1D000] =	vst v63  }
0x1fc: {  	_ =	swait.ge [sflag:s10], $0x800  }
0x1fd: {  	[sflag:s10] =	ssyncset.done $0x0  }
0x1fe: {  	[sflag:s10] =	ssyncadd.s32 $0xFFFFF800  }
0x1ff: {  	[tilespmem:s14], [sflag:$0x1] =	stream.indirect.gather [hbm4b:s4+s13], $0x80, s11, s13, $0xb8;
	[tilespmem:$0x1D000] =	vst v63  }
0x200: {  	s8 =	rddreg [dreg:$0x6]  }
0x201: {  	[tilespmem:s15], [sflag:$0x3] =	stream.indirect.gather [hbm4b:s4+s13], $0x80, s8, s13, $0xb8;
	[tilespmem:$0x1D000] =	vst v63  }
0x202: {  	s7 =	rddreg [dreg:$0x7]  }
0x203: {  	[tilespmem:s16], [sflag:$0x2] =	stream.indirect.gather [hbm4b:s4+s13], $0x80, s7, s13, $0xb8;
	[tilespmem:$0x1D000] =	vst v63  }
0x204: {  	s9 =	rddreg [dreg:$0x8]  }
0x205: {  	[tilespmem:s17], [sflag:$0x4] =	stream.indirect.gather [hbm4b:s4+s13], $0x80, s9, s13, $0xb8;
	[tilespmem:$0x1D000] =	vst v63  }
0x206: {  	_ =	swait.ge [sflag:s18], $0x2000  }
0x207: {  	[sflag:s18] =	ssyncset.done $0x0  }
0x208: {  	[sflag:s18] =	ssyncadd.s32 $0xFFFFE000  }
0x209: {  	_ =	swait.ge [sflag:s19], $0x2000  }
0x20a: {  	[sflag:s19] =	ssyncset.done $0x0  }
0x20b: {  	[sflag:s19] =	ssyncadd.s32 $0xFFFFE000  }
0x20c: {  	[spmem:s2] =	stream.indirect.scatter.add.f32 [tilespmem:s14], [sflag:$0x5], $0x80, s12, s20, $0xb8;
	[tilespmem:$0x1D000] =	vst v63  }
0x20d: {  	_ =	swait.ge [sflag:s10], $0x4000  }
0x20e: {  	[sflag:s10] =	ssyncset.done $0x0  }
0x20f: {  	s7 =	rddreg [dreg:$0x9];
	[sflag:s10] =	ssyncadd.s32 $0xFFFFC000  }
0x210: {  	[tilespmem:s14], [sflag:$0x1] =	stream.indirect.gather [hbm4b:s4+s13], $0x80, s7, s13, $0xb8;
	[tilespmem:$0x1D000] =	vst v63  }
0x211: {  	s8 =	rddreg [dreg:$0xa]  }
0x212: {  	[tilespmem:s15], [sflag:$0x3] =	stream.indirect.gather [hbm4b:s4+s13], $0x80, s8, s13, $0xb8;
	[tilespmem:$0x1D000] =	vst v63  }
0x213: {  	_ =	swait.ge [sflag:s21], $0x2000  }
0x214: {  	[sflag:s21] =	ssyncset.done $0x0  }
0x215: {  	[sflag:s21] =	ssyncadd.s32 $0xFFFFE000  }
0x216: {  	_ =	swait.ge [sflag:s22], $0x2000  }
0x217: {  	[sflag:s22] =	ssyncset.done $0x0  }
0x218: {  	s9 =	rddreg [dreg:$0xb];
	[sflag:s22] =	ssyncadd.s32 $0xFFFFE000  }
0x219: {  	[spmem:s2] =	stream.indirect.scatter.add.f32 [tilespmem:s16], [sflag:$0x5], $0x80, s9, s20, $0xb8;
	[tilespmem:$0x1D000] =	vst v63  }
0x21a: {  	_ =	swait.ge [sflag:s10], $0x4000  }
0x21b: {  	[sflag:s10] =	ssyncset.done $0x0  }
0x21c: {  	s7 =	rddreg [dreg:$0xc];
	[sflag:s10] =	ssyncadd.s32 $0xFFFFC000  }
0x21d: {  	[tilespmem:s16], [sflag:$0x2] =	stream.indirect.gather [hbm4b:s4+s13], $0x80, s7, s13, $0xb8;
	[tilespmem:$0x1D000] =	vst v63  }
0x21e: {  	s8 =	rddreg [dreg:$0xd]  }
0x21f: {  	[tilespmem:s17], [sflag:$0x4] =	stream.indirect.gather [hbm4b:s4+s13], $0x80, s8, s13, $0xb8;
	[tilespmem:$0x1D000] =	vst v63  }
0x220: {  	_ =	swait.ge [sflag:s18], $0x2000  }
0x221: {  	[sflag:s18] =	ssyncset.done $0x0  }
0x222: {  	[sflag:s18] =	ssyncadd.s32 $0xFFFFE000  }
0x223: {  	_ =	swait.ge [sflag:s19], $0x2000  }
0x224: {  	[sflag:s19] =	ssyncset.done $0x0  }
0x225: {  	s9 =	rddreg [dreg:$0xe];
	[sflag:s19] =	ssyncadd.s32 $0xFFFFE000  }
0x226: {  	[spmem:s2] =	stream.indirect.scatter.add.f32 [tilespmem:s14], [sflag:$0x5], $0x80, s9, s20, $0xb8;
	[tilespmem:$0x1D000] =	vst v63  }
0x227: {  	_ =	swait.ge [sflag:s10], $0x4000  }
0x228: {  	[sflag:s10] =	ssyncset.done $0x0  }
0x229: {  	s7 =	rddreg [dreg:$0xf];
	[sflag:s10] =	ssyncadd.s32 $0xFFFFC000  }
0x22a: {  	[tilespmem:s14], [sflag:$0x1] =	stream.indirect.gather [hbm4b:s4+s13], $0x80, s7, s13, $0xb8;
	[tilespmem:$0x1D000] =	vst v63  }
0x22b: {  	s8 =	rddreg [dreg:$0x10]  }
0x22c: {  	[tilespmem:s15], [sflag:$0x3] =	stream.indirect.gather [hbm4b:s4+s13], $0x80, s8, s13, $0xb8;
	[tilespmem:$0x1D000] =	vst v63  }
0x22d: {  	_ =	swait.ge [sflag:s21], $0x2000  }
0x22e: {  	[sflag:s21] =	ssyncset.done $0x0  }
0x22f: {  	[sflag:s21] =	ssyncadd.s32 $0xFFFFE000  }
0x230: {  	_ =	swait.ge [sflag:s22], $0x2000  }
0x231: {  	[sflag:s22] =	ssyncset.done $0x0  }
0x232: {  	s9 =	rddreg [dreg:$0x11];
	[sflag:s22] =	ssyncadd.s32 $0xFFFFE000  }
0x233: {  	[spmem:s2] =	stream.indirect.scatter.add.f32 [tilespmem:s16], [sflag:$0x5], $0x80, s9, s20, $0xb8;
	[tilespmem:$0x1D000] =	vst v63  }
0x234: {  	_ =	swait.ge [sflag:s10], $0x4000  }
0x235: {  	[sflag:s10] =	ssyncset.done $0x0  }
0x236: {  	s7 =	rddreg [dreg:$0x12];
	[sflag:s10] =	ssyncadd.s32 $0xFFFFC000  }
0x237: {  	[tilespmem:s16], [sflag:$0x2] =	stream.indirect.gather [hbm4b:s4+s13], $0x80, s7, s13, $0xb8;
	[tilespmem:$0x1D000] =	vst v63  }
0x238: {  	s8 =	rddreg [dreg:$0x13]  }
0x239: {  	[tilespmem:s17], [sflag:$0x4] =	stream.indirect.gather [hbm4b:s4+s13], $0x80, s8, s13, $0xb8;
	[tilespmem:$0x1D000] =	vst v63  }
0x23a: {  	_ =	swait.ge [sflag:s18], $0x2000  }
0x23b: {  	[sflag:s18] =	ssyncset.done $0x0  }
0x23c: {  	[sflag:s18] =	ssyncadd.s32 $0xFFFFE000  }
0x23d: {  	_ =	swait.ge [sflag:s19], $0x2000  }
0x23e: {  	[sflag:s19] =	ssyncset.done $0x0  }
0x23f: {  	s9 =	rddreg [dreg:$0x14];
	[sflag:s19] =	ssyncadd.s32 $0xFFFFE000  }
0x240: {  	[spmem:s2] =	stream.indirect.scatter.add.f32 [tilespmem:s14], [sflag:$0x5], $0x80, s9, s20, $0xb8;
	[tilespmem:$0x1D000] =	vst v63  }
0x241: {  	_ =	swait.ge [sflag:s10], $0x4000  }
0x242: {  	[sflag:s10] =	ssyncset.done $0x0  }
0x243: {  	s7 =	rddreg [dreg:$0x15];
	[sflag:s10] =	ssyncadd.s32 $0xFFFFC000  }
0x244: {  	[tilespmem:s14], [sflag:$0x1] =	stream.indirect.gather [hbm4b:s4+s13], $0x80, s7, s13, $0xb8;
	[tilespmem:$0x1D000] =	vst v63  }
0x245: {  	s8 =	rddreg [dreg:$0x16]  }
0x246: {  	[tilespmem:s15], [sflag:$0x3] =	stream.indirect.gather [hbm4b:s4+s13], $0x80, s8, s13, $0xb8;
	[tilespmem:$0x1D000] =	vst v63  }
0x247: {  	_ =	swait.ge [sflag:s21], $0x2000  }
0x248: {  	[sflag:s21] =	ssyncset.done $0x0  }
0x249: {  	[sflag:s21] =	ssyncadd.s32 $0xFFFFE000  }
0x24a: {  	_ =	swait.ge [sflag:s22], $0x2000  }
0x24b: {  	[sflag:s22] =	ssyncset.done $0x0  }
0x24c: {  	s9 =	rddreg [dreg:$0x17];
	[sflag:s22] =	ssyncadd.s32 $0xFFFFE000  }
0x24d: {  	[spmem:s2] =	stream.indirect.scatter.add.f32 [tilespmem:s16], [sflag:$0x5], $0x80, s9, s20, $0xb8;
	[tilespmem:$0x1D000] =	vst v63  }
0x24e: {  	_ =	swait.ge [sflag:s10], $0x4000  }
0x24f: {  	[sflag:s10] =	ssyncset.done $0x0  }
0x250: {  	s7 =	rddreg [dreg:$0x18];
	[sflag:s10] =	ssyncadd.s32 $0xFFFFC000  }
0x251: {  	[tilespmem:s16], [sflag:$0x2] =	stream.indirect.gather [hbm4b:s4+s13], $0x80, s7, s13, $0xb8;
	[tilespmem:$0x1D000] =	vst v63  }
0x252: {  	s8 =	rddreg [dreg:$0x19]  }
0x253: {  	[tilespmem:s17], [sflag:$0x4] =	stream.indirect.gather [hbm4b:s4+s13], $0x80, s8, s13, $0xb8;
	[tilespmem:$0x1D000] =	vst v63  }
0x254: {  	_ =	swait.ge [sflag:s18], $0x2000  }
0x255: {  	[sflag:s18] =	ssyncset.done $0x0  }
0x256: {  	[sflag:s18] =	ssyncadd.s32 $0xFFFFE000  }
0x257: {  	_ =	swait.ge [sflag:s19], $0x2000  }
0x258: {  	[sflag:s19] =	ssyncset.done $0x0  }
0x259: {  	s9 =	rddreg [dreg:$0x1a];
	[sflag:s19] =	ssyncadd.s32 $0xFFFFE000  }
0x25a: {  	[spmem:s2] =	stream.indirect.scatter.add.f32 [tilespmem:s14], [sflag:$0x5], $0x80, s9, s20, $0xb8;
	[tilespmem:$0x1D000] =	vst v63  }
0x25b: {  	_ =	swait.ge [sflag:s10], $0x4000  }
0x25c: {  	[sflag:s10] =	ssyncset.done $0x0  }
0x25d: {  	s7 =	rddreg [dreg:$0x1b];
	[sflag:s10] =	ssyncadd.s32 $0xFFFFC000  }
0x25e: {  	[tilespmem:s14], [sflag:$0x1] =	stream.indirect.gather [hbm4b:s4+s13], $0x80, s7, s13, $0xb8;
	[tilespmem:$0x1D000] =	vst v63  }
0x25f: {  	s8 =	rddreg [dreg:$0x1c]  }
0x260: {  	[tilespmem:s15], [sflag:$0x3] =	stream.indirect.gather [hbm4b:s4+s13], $0x80, s8, s13, $0xb8;
	[tilespmem:$0x1D000] =	vst v63  }
0x261: {  	_ =	swait.ge [sflag:s21], $0x2000  }
0x262: {  	[sflag:s21] =	ssyncset.done $0x0  }
0x263: {  	[sflag:s21] =	ssyncadd.s32 $0xFFFFE000  }
0x264: {  	_ =	swait.ge [sflag:s22], $0x2000  }
0x265: {  	[sflag:s22] =	ssyncset.done $0x0  }
0x266: {  	s9 =	rddreg [dreg:$0x1d];
	[sflag:s22] =	ssyncadd.s32 $0xFFFFE000  }
0x267: {  	[spmem:s2] =	stream.indirect.scatter.add.f32 [tilespmem:s16], [sflag:$0x5], $0x80, s9, s20, $0xb8;
	[tilespmem:$0x1D000] =	vst v63  }
0x268: {  	_ =	swait.ge [sflag:s10], $0x4000  }
0x269: {  	[sflag:s10] =	ssyncset.done $0x0  }
0x26a: {  	s7 =	rddreg [dreg:$0x1e];
	[sflag:s10] =	ssyncadd.s32 $0xFFFFC000  }
0x26b: {  	[tilespmem:s16], [sflag:$0x2] =	stream.indirect.gather [hbm4b:s4+s13], $0x80, s7, s13, $0xb8;
	[tilespmem:$0x1D000] =	vst v63  }
0x26c: {  	s8 =	rddreg [dreg:$0x1f]  }
0x26d: {  	[tilespmem:s17], [sflag:$0x4] =	stream.indirect.gather [hbm4b:s4+s13], $0x80, s8, s13, $0xb8;
	[tilespmem:$0x1D000] =	vst v63  }
0x26e: {  	_ =	swait.ge [sflag:s18], $0x2000  }
0x26f: {  	[sflag:s18] =	ssyncset.done $0x0  }
0x270: {  	[sflag:s18] =	ssyncadd.s32 $0xFFFFE000  }
0x271: {  	_ =	swait.ge [sflag:s19], $0x2000  }
0x272: {  	s9 =	sld [smem:$0x7F3]  }
0x273: {  	[sflag:s19] =	ssyncset.done $0x0  }
0x274: {  	[sflag:s19] =	ssyncadd.s32 $0xFFFFE000  }
0x275: {  	[spmem:s2] =	stream.indirect.scatter.add.f32 [tilespmem:s14], [sflag:$0x5], $0x80, s9, s20, $0xb8;
	[tilespmem:$0x1D000] =	vst v63  }
0x276: {  	_ =	swait.ge [sflag:s10], $0x4000  }
0x277: {  	s7 =	sld [smem:$0x7F4]  }
0x278: {  	[sflag:s10] =	ssyncset.done $0x0  }
0x279: {  	s8 =	sld [smem:$0x7F5];
	[sflag:s10] =	ssyncadd.s32 $0xFFFFC000  }
0x27a: {  	[tilespmem:s14], [sflag:$0x1] =	stream.indirect.gather [hbm4b:s4+s13], $0x80, s7, s13, $0xb8;
	[tilespmem:$0x1D000] =	vst v63  }
0x27b: {  	_ = 	snop  }
0x27c: {  	[tilespmem:s15], [sflag:$0x3] =	stream.indirect.gather [hbm4b:s4+s13], $0x80, s8, s13, $0xb8;
	[tilespmem:$0x1D000] =	vst v63  }
0x27d: {  	_ =	swait.ge [sflag:s21], $0x2000  }
0x27e: {  	[sflag:s21] =	ssyncset.done $0x0  }
0x27f: {  	[sflag:s21] =	ssyncadd.s32 $0xFFFFE000  }
0x280: {  	_ =	swait.ge [sflag:s22], $0x2000  }
0x281: {  	s9 =	sld [smem:$0x7F6]  }
0x282: {  	[sflag:s22] =	ssyncset.done $0x0  }
0x283: {  	[sflag:s22] =	ssyncadd.s32 $0xFFFFE000  }
0x284: {  	[spmem:s2] =	stream.indirect.scatter.add.f32 [tilespmem:s16], [sflag:$0x5], $0x80, s9, s20, $0xb8;
	[tilespmem:$0x1D000] =	vst v63  }
0x285: {  	_ =	swait.ge [sflag:s10], $0x4000  }
0x286: {  	s7 =	sld [smem:$0x7F7]  }
0x287: {  	[sflag:s10] =	ssyncset.done $0x0  }
0x288: {  	s8 =	sld [smem:$0x7F8];
	[sflag:s10] =	ssyncadd.s32 $0xFFFFC000  }
0x289: {  	[tilespmem:s16], [sflag:$0x2] =	stream.indirect.gather [hbm4b:s4+s13], $0x80, s7, s13, $0xb8;
	[tilespmem:$0x1D000] =	vst v63  }
0x28a: {  	_ = 	snop  }
0x28b: {  	[tilespmem:s17], [sflag:$0x4] =	stream.indirect.gather [hbm4b:s4+s13], $0x80, s8, s13, $0xb8;
	[tilespmem:$0x1D000] =	vst v63  }
0x28c: {  	_ =	swait.ge [sflag:s18], $0x2000  }
0x28d: {  	[sflag:s18] =	ssyncset.done $0x0  }
0x28e: {  	[sflag:s18] =	ssyncadd.s32 $0xFFFFE000  }
0x28f: {  	_ =	swait.ge [sflag:s19], $0x2000  }
0x290: {  	s9 =	sld [smem:$0x7F9]  }
0x291: {  	[sflag:s19] =	ssyncset.done $0x0  }
0x292: {  	[sflag:s19] =	ssyncadd.s32 $0xFFFFE000  }
0x293: {  	[spmem:s2] =	stream.indirect.scatter.add.f32 [tilespmem:s14], [sflag:$0x5], $0x80, s9, s20, $0xb8;
	[tilespmem:$0x1D000] =	vst v63  }
0x294: {  	_ =	swait.ge [sflag:s10], $0x4000  }
0x295: {  	s7 =	sld [smem:$0x7FA]  }
0x296: {  	[sflag:s10] =	ssyncset.done $0x0  }
0x297: {  	s8 =	sld [smem:$0x7FB];
	[sflag:s10] =	ssyncadd.s32 $0xFFFFC000  }
0x298: {  	[tilespmem:s14], [sflag:$0x1] =	stream.indirect.gather [hbm4b:s4+s13], $0x80, s7, s13, $0xb8;
	[tilespmem:$0x1D000] =	vst v63  }
0x299: {  	_ = 	snop  }
0x29a: {  	[tilespmem:s15], [sflag:$0x3] =	stream.indirect.gather [hbm4b:s4+s13], $0x80, s8, s13, $0xb8;
	[tilespmem:$0x1D000] =	vst v63  }
0x29b: {  	_ =	swait.ge [sflag:s21], $0x2000  }
0x29c: {  	[sflag:s21] =	ssyncset.done $0x0  }
0x29d: {  	[sflag:s21] =	ssyncadd.s32 $0xFFFFE000  }
0x29e: {  	_ =	swait.ge [sflag:s22], $0x2000  }
0x29f: {  	[sflag:s22] =	ssyncset.done $0x0  }
0x2a0: {  	[sflag:s22] =	ssyncadd.s32 $0xFFFFE000  }
0x2a1: {  	[spmem:s2] =	stream.indirect.scatter.add.f32 [tilespmem:s16], [sflag:$0x5], $0x80, s23, s20, $0xb8;
	[tilespmem:$0x1D000] =	vst v63  }
0x2a2: {  	_ =	swait.ge [sflag:s10], $0x4000  }
0x2a3: {  	[sflag:s10] =	ssyncset.done $0x0  }
0x2a4: {  	[sflag:s10] =	ssyncadd.s32 $0xFFFFC000  }
0x2a5: {  	[tilespmem:s16], [sflag:$0x2] =	stream.indirect.gather [hbm4b:s4+s13], $0x80, s24, s13, $0xb8;
	[tilespmem:$0x1D000] =	vst v63  }
0x2a6: {  	_ = 	snop  }
0x2a7: {  	[tilespmem:s17], [sflag:$0x4] =	stream.indirect.gather [hbm4b:s4+s13], $0x80, s25, s13, $0xb8;
	[tilespmem:$0x1D000] =	vst v63  }
0x2a8: {  	_ =	swait.ge [sflag:s18], $0x2000  }
0x2a9: {  	[sflag:s18] =	ssyncset.done $0x0  }
0x2aa: {  	[sflag:s18] =	ssyncadd.s32 $0xFFFFE000  }
0x2ab: {  	_ =	swait.ge [sflag:s19], $0x2000  }
0x2ac: {  	[sflag:s19] =	ssyncset.done $0x0  }
0x2ad: {  	[sflag:s19] =	ssyncadd.s32 $0xFFFFE000  }
0x2ae: {  	[spmem:s2] =	stream.indirect.scatter.add.f32 [tilespmem:s14], [sflag:$0x5], $0x80, s26, s20, $0xb8;
	[tilespmem:$0x1D000] =	vst v63  }
0x2af: {  	_ =	swait.ge [sflag:s10], $0x4000  }
0x2b0: {  	[sflag:s10] =	ssyncset.done $0x0  }
0x2b1: {  	[sflag:s10] =	ssyncadd.s32 $0xFFFFC000  }
0x2b2: {  	[tilespmem:s14], [sflag:$0x1] =	stream.indirect.gather [hbm4b:s4+s13], $0x80, s28, s13, $0xb8;
	[tilespmem:$0x1D000] =	vst v63  }
0x2b3: {  	_ = 	snop  }
0x2b4: {  	[tilespmem:s15], [sflag:$0x3] =	stream.indirect.gather [hbm4b:s4+s13], $0x80, s29, s13, $0xb8;
	[tilespmem:$0x1D000] =	vst v63  }
0x2b5: {  	_ =	swait.ge [sflag:s21], $0x2000  }
0x2b6: {  	[sflag:s21] =	ssyncset.done $0x0  }
0x2b7: {  	[sflag:s21] =	ssyncadd.s32 $0xFFFFE000  }
0x2b8: {  	_ =	swait.ge [sflag:s22], $0x2000  }
0x2b9: {  	[sflag:s22] =	ssyncset.done $0x0  }
0x2ba: {  	[sflag:s22] =	ssyncadd.s32 $0xFFFFE000  }
0x2bb: {  	[spmem:s2] =	stream.indirect.scatter.add.f32 [tilespmem:s16], [sflag:$0x5], $0x80, s30, s20, $0xb8;
	[tilespmem:$0x1D000] =	vst v63  }
0x2bc: {  	_ =	swait.ge [sflag:s10], $0x4000  }
0x2bd: {  	[sflag:s10] =	ssyncset.done $0x0  }
0x2be: {  	[sflag:s10] =	ssyncadd.s32 $0xFFFFC000  }
0x2bf: {  	[tilespmem:s16], [sflag:$0x2] =	stream.indirect.gather [hbm4b:s4+s13], $0x80, s31, s13, $0xb8;
	[tilespmem:$0x1D000] =	vst v63  }
0x2c0: {  	_ = 	snop  }
0x2c1: {  	[tilespmem:s17], [sflag:$0x4] =	stream.indirect.gather [hbm4b:s4+s13], $0x80, s1, s13, $0xb8;
	[tilespmem:$0x1D000] =	vst v63  }
0x2c2: {  	_ =	swait.ge [sflag:s18], $0x2000  }
0x2c3: {  	[sflag:s18] =	ssyncset.done $0x0  }
0x2c4: {  	[sflag:s18] =	ssyncadd.s32 $0xFFFFE000  }
0x2c5: {  	_ =	swait.ge [sflag:s19], $0x2000  }
0x2c6: {  	[sflag:s19] =	ssyncset.done $0x0  }
0x2c7: {  	[sflag:s19] =	ssyncadd.s32 $0xFFFFE000  }
0x2c8: {  	[spmem:s2] =	stream.indirect.scatter.add.f32 [tilespmem:s14], [sflag:$0x5], $0x80, s0, s20, $0xb8;
	[tilespmem:$0x1D000] =	vst v63  }
0x2c9: {  	_ =	swait.ge [sflag:s10], $0x4000  }
0x2ca: {  	[sflag:s10] =	ssyncset.done $0x0  }
0x2cb: {  	[sflag:s10] =	ssyncadd.s32 $0xFFFFC000  }
0x2cc: {  	_ =	swait.ge [sflag:s21], $0x2000  }
0x2cd: {  	[sflag:s21] =	ssyncset.done $0x0  }
0x2ce: {  	[sflag:s21] =	ssyncadd.s32 $0xFFFFE000  }
0x2cf: {  	_ =	swait.ge [sflag:s22], $0x2000  }
0x2d0: {  	[sflag:s22] =	ssyncset.done $0x0  }
0x2d1: {  	[sflag:s22] =	ssyncadd.s32 $0xFFFFE000  }
0x2d2: {  	[spmem:s2] =	stream.indirect.scatter.add.f32 [tilespmem:s16], [sflag:$0x5], $0x80, s5, s20, $0xb8;
	[tilespmem:$0x1D000] =	vst v63  }
0x2d3: {  	_ =	swait.ge [sflag:s10], $0x4000  }
0x2d4: {  	[sflag:s10] =	ssyncset.done $0x0  }
0x2d5: {  	[sflag:s10] =	ssyncadd.s32 $0xFFFFC000  }
0x2d6: {  	[bflag:$0x0] =	sbarrier.arrive $0xFFFF  }
0x2d7: {  	s8 =	sld [smem:$0x7FC]  }
0x2d8: {  	s9 =	sld [smem:$0x7F1]  }
0x2d9: {  	s7 =	sld [smem:$0x7FD];
	_ =	sdelay $0x2  }
0x2da: {  	[hbm:s9], [sflag:s8] =	dma.local [spmem:s7], $0x2800  }
0x2db: {  	_ =	swait.ge [sflag:s10], $0x2800  }
0x2dc: {  	s6 =	sld [smem:$0x7EF];
	_ =	sdelay $0x2  }
0x2dd: {  	s9 =	sadd.s32 $0x1, s6;
	s6 =	sld [smem:$0x7F2];
	_ =	sdelay $0x2  }
0x2de: {  	p0 =	sne.s32 s9, s6  }
.Ltmp1:
0x2df: {  	_ = 	snop;
	(pc) =	sbr.rel @p0 .LBB2_1-.Ltmp1, $3  }
0x2e0: {  	_ =	sdelay $0x1  }
0x2e1: {  	[sflag:s10] =	ssyncset.done $0x0  }
0x2e2: {  	[sflag:s10] =	ssyncadd.s32 $0xFFFFD800  }
0x2e3: {  	_ =	sfence.sel $0x180000  }
0x2e4: {  	[bflag:$0x0] =	sbarrier.arrive $0xFFFF  }
0x2e5: {  	_ =	strace $0x9000004A  }
0x2e6: {  	s0 =	stileid.u32;
	[bflag:$0x2] =	sbarrier.arrive $0xFFFF  }
0x2e7: {  	p0 =	sne.s32 s0, $0x0;
	s0 =	rddreg [dreg:$0x3]  }
0x2e8: {  	s0 =	sadd.s32 @!p0 $0x100000, s0  }
0x2e9: {  	[sflag:s0] =	ssyncadd.tile.s32 @!p0 $0x1;
	_ =	shalt  }
.Lfunc_end2:
_tile_overlayer_lowered:
.L_overlay_start_2:
0x2ea: {  	(tag) =	ssettag $0x2  }
0x2eb: {  	s0 =	rddreg [dreg:$0x0];
	s2 =	stileid.u32  }
0x2ec: {  	s1 =	rddreg [dreg:$0x1];
	p0 =	sne.s32 s2, $0x0  }
0x2ed: {  	s3 =	rddreg [dreg:$0x2];
	[bflag:$0x3] =	sbarrier.arrive $0xFFFF;
	s2 =	simm.s32 @!p0 $0x1C05  }
0x2ee: {  	[timem:s3], [sflag:s2] =	dma.local @!p0 [hbm:s0], s1  }
0x2ef: {  	s0 =	simm.s32 @!p0 $0x5  }
0x2f0: {  	_ =	swait.ge @!p0 [sflag:s0], s1  }
0x2f1: {  	s1 =	ssub.s32 @!p0 $0x0, s1;
	[sflag:s0] =	ssyncset.done @!p0 $0x0  }
0x2f2: {  	[sflag:s0] =	ssyncadd.s32 @!p0 s1  }
0x2f3: {  	[bflag:$0x3] =	sbarrier.arrive $0xFFFF  }
0x2f4: {  	_ =	shalt  }

</sc_bundles>
